<compile_context>
chip_gen: v7x
topology: tpu7x:2x2x1
jax: 0.10.2.dev20260603
libtpu: 0.0.44.dev20260713+nightly
codegen_flags: <defaults>
</compile_context>

<pallas_src>
import math

import jax
import jax.numpy as jnp
from jax import lax
from jax.experimental import pallas as pl
from jax.experimental.pallas import tpu as pltpu
from jax.experimental.pallas import tpu_sc as plsc

_B, _T = 32, 32768
_N = _B * _T
_NC, _NS = 2, 16
_NW = _NC * _NS
_PER = _N // _NW
_V = 16
_C = 8192
_NCH = _PER // _C

_MAGIC = 12582912.0
_A = math.log(2.0) / 12.0
_BIAS = math.log(440.0) - 69.0 * _A


def _detune_body(p_hbm, d_hbm, w_hbm, out_hbm, p_v, d_v, o_v, w_v,
                 sem_in, sem_out, sem_w):
    wid = lax.axis_index("s") * _NC + lax.axis_index("c")
    base = wid * _PER
    w_desc = pltpu.async_copy(w_hbm, w_v, sem_w)

    def start_in(k):
        sl_h = pl.ds(base + k * _C, _C)
        sl_v = pl.ds(k * _C, _C)
        return (pltpu.async_copy(p_hbm.at[sl_h], p_v.at[sl_v], sem_in.at[k, 0]),
                pltpu.async_copy(d_hbm.at[sl_h], d_v.at[sl_v], sem_in.at[k, 1]))

    in_descs = [start_in(k) for k in range(_NCH)]
    w_desc.wait()
    out_descs = []
    for k in range(_NCH):
        dp, dd = in_descs[k]
        dp.wait()
        dd.wait()

        @plsc.parallel_loop(k * _C, (k + 1) * _C, step=_V, unroll=8)
        def _step(i):
            sl = pl.ds(i, _V)
            p = p_v[sl]
            d = d_v[sl]
            pc = jnp.minimum(jnp.maximum(p, 0.0), 127.0)
            idx = plsc.bitcast(pc + _MAGIC, jnp.int32) & 0x3FFFFF
            t = plsc.load_gather(w_v, [idx])
            o_v[sl] = jnp.exp((p + d + t) * _A + _BIAS)

        out_descs.append(pltpu.async_copy(
            o_v.at[pl.ds(k * _C, _C)],
            out_hbm.at[pl.ds(base + k * _C, _C)],
            sem_out.at[k]))
    for dsc in out_descs:
        dsc.wait()


def kernel(extended_pitch, global_detuning, embedding_weight):
    p = extended_pitch.reshape(_N)
    d = global_detuning.reshape(_N)
    w = embedding_weight.reshape(128)
    mesh = plsc.VectorSubcoreMesh(core_axis_name="c", subcore_axis_name="s")
    f = pl.kernel(
        _detune_body,
        out_type=jax.ShapeDtypeStruct((_N,), jnp.float32),
        mesh=mesh,
        compiler_params=pltpu.CompilerParams(needs_layout_passes=False),
        scratch_types=[
            pltpu.VMEM((_PER,), jnp.float32),
            pltpu.VMEM((_PER,), jnp.float32),
            pltpu.VMEM((_PER,), jnp.float32),
            pltpu.VMEM((128,), jnp.float32),
            pltpu.SemaphoreType.DMA((_NCH, 2)),
            pltpu.SemaphoreType.DMA((_NCH,)),
            pltpu.SemaphoreType.DMA,
        ],
    )
    out = f(p, d, w)
    return out.reshape(_B, _T, 1)

# --- scband reference (transcript-rebuilt; emitter-appended) ---
"""Pipeline reference for scband-dict-detuner-74165495267416 (READ-ONLY COPY).

The authoritative reference and input builder live on the scoring server;
editing this copy changes nothing except your own understanding.
"""

import jax, jax.numpy as jnp
import numpy as np


def midi_to_hz(m):
    return 440.0 * jnp.power(2.0, (m - 69.0) / 12.0)


def setup_inputs(seed: int = 0) -> dict:
    key = jax.random.key(seed)
    k1, k2 = jax.random.split(key)
    extended_pitch = jax.random.uniform(k1, (32, 32768, 1), dtype=jnp.float32)
    global_detuning = jax.random.normal(k2, (32, 32768, 1), dtype=jnp.float32)
    # nn.Embedding(128, 1) with weights zero-initialized per __init__
    embedding_weight = jnp.zeros((128, 1), dtype=jnp.float32)
    return {"extended_pitch": extended_pitch, "global_detuning": global_detuning, "embedding_weight": embedding_weight}


def reference(extended_pitch, global_detuning, embedding_weight):
    midi_idx = jnp.clip(jnp.round(extended_pitch).astype(jnp.int32), 0, 127)
    midi_idx = jnp.squeeze(midi_idx, axis=-1)
    shift = jnp.take(embedding_weight, midi_idx, axis=0)  # [B, T, 1]
    shift = shift + global_detuning
    return midi_to_hz(extended_pitch) * jnp.power(2.0, shift / 12.0)

if __name__ == "__main__":
    import jax
    _d = setup_inputs()
    print(jax.jit(kernel)(*tuple(_d.values())))

</pallas_src>

<mosaic_0001>
#map = affine_map<(d0, d1) -> (0)>
module attributes {stable_mosaic.version = 14 : i64} {
  func.func @_detune_body(%arg0: i32, %arg1: i32, %arg2: memref<1048576xf32, #tpu.memory_space<hbm>>, %arg3: memref<1048576xf32, #tpu.memory_space<hbm>>, %arg4: memref<128xf32, #tpu.memory_space<hbm>>, %arg5: memref<1048576xf32, #tpu.memory_space<hbm>>, %arg6: memref<32768xf32, #tpu.memory_space<vmem>>, %arg7: memref<32768xf32, #tpu.memory_space<vmem>>, %arg8: memref<32768xf32, #tpu.memory_space<vmem>>, %arg9: memref<128xf32, #tpu.memory_space<vmem>>, %arg10: memref<4x2x!tpu.dma_semaphore, #tpu.memory_space<semaphore_mem>>, %arg11: memref<4x!tpu.dma_semaphore, #tpu.memory_space<semaphore_mem>>, %arg12: memref<!tpu.dma_semaphore, #tpu.memory_space<semaphore_mem>>) attributes {dimension_semantics = [#tpu.dimension_semantics<core_parallel>, #tpu.dimension_semantics<subcore_parallel>], iteration_bounds = array<i64: 2, 16>, scalar_prefetch = 0 : i64, scratch_operands = 7 : i64, tpu.core_type = #tpu.core_type<sc_vector_subcore>, window_params = [{transform_indices = #map}, {transform_indices = #map}, {transform_indices = #map}, {transform_indices = #map}]} {
    %mul3A = arith.constant 2 : i32
    %mul3A_0 = arith.muli %arg1, %mul3A : i32
    %add3A = arith.addi %mul3A_0, %arg0 : i32
    %mul3A_1 = arith.constant 32768 : i32
    %mul3A_2 = arith.muli %add3A, %mul3A_1 : i32
    tpu.enqueue_dma source(%arg4 : memref<128xf32, #tpu.memory_space<hbm>>) target(%arg9 : memref<128xf32, #tpu.memory_space<vmem>>) target_semaphore(%arg12 : memref<!tpu.dma_semaphore, #tpu.memory_space<semaphore_mem>>)
    %add3A_3 = arith.constant 0 : i32
    %add3A_4 = arith.addi %mul3A_2, %add3A_3 : i32
    %dma_start3A = arith.constant 0 : i32
    %dma_start3A_5 = arith.constant 0 : i32
    %dma_start3A_6 = arith.constant 0 : i32
    %dma_start3A_7 = tpu.memref_slice %arg6[%dma_start3A_6] : memref<32768xf32, #tpu.memory_space<vmem>> -> memref<8192xf32, #tpu.memory_space<vmem>>
    %dma_start3A_8 = tpu.memref_slice %arg2[%add3A_4] : memref<1048576xf32, #tpu.memory_space<hbm>> -> memref<8192xf32, #tpu.memory_space<hbm>>
    %dma_start3A_9 = tpu.memref_slice %arg10[%dma_start3A, %dma_start3A_5] : memref<4x2x!tpu.dma_semaphore, #tpu.memory_space<semaphore_mem>> -> memref<1x1x!tpu.dma_semaphore, #tpu.memory_space<semaphore_mem>>
    %dma_start3A_10 = tpu.memref_squeeze %dma_start3A_9 : memref<1x1x!tpu.dma_semaphore, #tpu.memory_space<semaphore_mem>> -> memref<!tpu.dma_semaphore, #tpu.memory_space<semaphore_mem>>
    %dma_start3A_11 = arith.constant 0 : i32
    %dma_start3A_12 = tpu.memref_slice %arg6[%dma_start3A_11] : memref<32768xf32, #tpu.memory_space<vmem>> -> memref<8192xf32, #tpu.memory_space<vmem>>
    %dma_start3A_13 = tpu.memref_slice %arg2[%add3A_4] : memref<1048576xf32, #tpu.memory_space<hbm>> -> memref<8192xf32, #tpu.memory_space<hbm>>
    tpu.enqueue_dma source(%dma_start3A_13 : memref<8192xf32, #tpu.memory_space<hbm>>) target(%dma_start3A_12 : memref<8192xf32, #tpu.memory_space<vmem>>) target_semaphore(%dma_start3A_10 : memref<!tpu.dma_semaphore, #tpu.memory_space<semaphore_mem>>)
    %dma_start3A_14 = arith.constant 0 : i32
    %dma_start3A_15 = arith.constant 1 : i32
    %dma_start3A_16 = arith.constant 0 : i32
    %dma_start3A_17 = tpu.memref_slice %arg7[%dma_start3A_16] : memref<32768xf32, #tpu.memory_space<vmem>> -> memref<8192xf32, #tpu.memory_space<vmem>>
    %dma_start3A_18 = tpu.memref_slice %arg3[%add3A_4] : memref<1048576xf32, #tpu.memory_space<hbm>> -> memref<8192xf32, #tpu.memory_space<hbm>>
    %dma_start3A_19 = tpu.memref_slice %arg10[%dma_start3A_14, %dma_start3A_15] : memref<4x2x!tpu.dma_semaphore, #tpu.memory_space<semaphore_mem>> -> memref<1x1x!tpu.dma_semaphore, #tpu.memory_space<semaphore_mem>>
    %dma_start3A_20 = tpu.memref_squeeze %dma_start3A_19 : memref<1x1x!tpu.dma_semaphore, #tpu.memory_space<semaphore_mem>> -> memref<!tpu.dma_semaphore, #tpu.memory_space<semaphore_mem>>
    %dma_start3A_21 = arith.constant 0 : i32
    %dma_start3A_22 = tpu.memref_slice %arg7[%dma_start3A_21] : memref<32768xf32, #tpu.memory_space<vmem>> -> memref<8192xf32, #tpu.memory_space<vmem>>
    %dma_start3A_23 = tpu.memref_slice %arg3[%add3A_4] : memref<1048576xf32, #tpu.memory_space<hbm>> -> memref<8192xf32, #tpu.memory_space<hbm>>
    tpu.enqueue_dma source(%dma_start3A_23 : memref<8192xf32, #tpu.memory_space<hbm>>) target(%dma_start3A_22 : memref<8192xf32, #tpu.memory_space<vmem>>) target_semaphore(%dma_start3A_20 : memref<!tpu.dma_semaphore, #tpu.memory_space<semaphore_mem>>)
    %add3A_24 = arith.constant 8192 : i32
    %add3A_25 = arith.addi %mul3A_2, %add3A_24 : i32
    %dma_start3A_26 = arith.constant 1 : i32
    %dma_start3A_27 = arith.constant 0 : i32
    %dma_start3A_28 = arith.constant 8192 : i32
    %dma_start3A_29 = tpu.memref_slice %arg6[%dma_start3A_28] : memref<32768xf32, #tpu.memory_space<vmem>> -> memref<8192xf32, #tpu.memory_space<vmem>>
    %dma_start3A_30 = tpu.memref_slice %arg2[%add3A_25] : memref<1048576xf32, #tpu.memory_space<hbm>> -> memref<8192xf32, #tpu.memory_space<hbm>>
    %dma_start3A_31 = tpu.memref_slice %arg10[%dma_start3A_26, %dma_start3A_27] : memref<4x2x!tpu.dma_semaphore, #tpu.memory_space<semaphore_mem>> -> memref<1x1x!tpu.dma_semaphore, #tpu.memory_space<semaphore_mem>>
    %dma_start3A_32 = tpu.memref_squeeze %dma_start3A_31 : memref<1x1x!tpu.dma_semaphore, #tpu.memory_space<semaphore_mem>> -> memref<!tpu.dma_semaphore, #tpu.memory_space<semaphore_mem>>
    %dma_start3A_33 = arith.constant 8192 : i32
    %dma_start3A_34 = tpu.memref_slice %arg6[%dma_start3A_33] : memref<32768xf32, #tpu.memory_space<vmem>> -> memref<8192xf32, #tpu.memory_space<vmem>>
    %dma_start3A_35 = tpu.memref_slice %arg2[%add3A_25] : memref<1048576xf32, #tpu.memory_space<hbm>> -> memref<8192xf32, #tpu.memory_space<hbm>>
    tpu.enqueue_dma source(%dma_start3A_35 : memref<8192xf32, #tpu.memory_space<hbm>>) target(%dma_start3A_34 : memref<8192xf32, #tpu.memory_space<vmem>>) target_semaphore(%dma_start3A_32 : memref<!tpu.dma_semaphore, #tpu.memory_space<semaphore_mem>>)
    %dma_start3A_36 = arith.constant 1 : i32
    %dma_start3A_37 = arith.constant 1 : i32
    %dma_start3A_38 = arith.constant 8192 : i32
    %dma_start3A_39 = tpu.memref_slice %arg7[%dma_start3A_38] : memref<32768xf32, #tpu.memory_space<vmem>> -> memref<8192xf32, #tpu.memory_space<vmem>>
    %dma_start3A_40 = tpu.memref_slice %arg3[%add3A_25] : memref<1048576xf32, #tpu.memory_space<hbm>> -> memref<8192xf32, #tpu.memory_space<hbm>>
    %dma_start3A_41 = tpu.memref_slice %arg10[%dma_start3A_36, %dma_start3A_37] : memref<4x2x!tpu.dma_semaphore, #tpu.memory_space<semaphore_mem>> -> memref<1x1x!tpu.dma_semaphore, #tpu.memory_space<semaphore_mem>>
    %dma_start3A_42 = tpu.memref_squeeze %dma_start3A_41 : memref<1x1x!tpu.dma_semaphore, #tpu.memory_space<semaphore_mem>> -> memref<!tpu.dma_semaphore, #tpu.memory_space<semaphore_mem>>
    %dma_start3A_43 = arith.constant 8192 : i32
    %dma_start3A_44 = tpu.memref_slice %arg7[%dma_start3A_43] : memref<32768xf32, #tpu.memory_space<vmem>> -> memref<8192xf32, #tpu.memory_space<vmem>>
    %dma_start3A_45 = tpu.memref_slice %arg3[%add3A_25] : memref<1048576xf32, #tpu.memory_space<hbm>> -> memref<8192xf32, #tpu.memory_space<hbm>>
    tpu.enqueue_dma source(%dma_start3A_45 : memref<8192xf32, #tpu.memory_space<hbm>>) target(%dma_start3A_44 : memref<8192xf32, #tpu.memory_space<vmem>>) target_semaphore(%dma_start3A_42 : memref<!tpu.dma_semaphore, #tpu.memory_space<semaphore_mem>>)
    %add3A_46 = arith.constant 16384 : i32
    %add3A_47 = arith.addi %mul3A_2, %add3A_46 : i32
    %dma_start3A_48 = arith.constant 2 : i32
    %dma_start3A_49 = arith.constant 0 : i32
    %dma_start3A_50 = arith.constant 16384 : i32
    %dma_start3A_51 = tpu.memref_slice %arg6[%dma_start3A_50] : memref<32768xf32, #tpu.memory_space<vmem>> -> memref<8192xf32, #tpu.memory_space<vmem>>
    %dma_start3A_52 = tpu.memref_slice %arg2[%add3A_47] : memref<1048576xf32, #tpu.memory_space<hbm>> -> memref<8192xf32, #tpu.memory_space<hbm>>
    %dma_start3A_53 = tpu.memref_slice %arg10[%dma_start3A_48, %dma_start3A_49] : memref<4x2x!tpu.dma_semaphore, #tpu.memory_space<semaphore_mem>> -> memref<1x1x!tpu.dma_semaphore, #tpu.memory_space<semaphore_mem>>
    %dma_start3A_54 = tpu.memref_squeeze %dma_start3A_53 : memref<1x1x!tpu.dma_semaphore, #tpu.memory_space<semaphore_mem>> -> memref<!tpu.dma_semaphore, #tpu.memory_space<semaphore_mem>>
    %dma_start3A_55 = arith.constant 16384 : i32
    %dma_start3A_56 = tpu.memref_slice %arg6[%dma_start3A_55] : memref<32768xf32, #tpu.memory_space<vmem>> -> memref<8192xf32, #tpu.memory_space<vmem>>
    %dma_start3A_57 = tpu.memref_slice %arg2[%add3A_47] : memref<1048576xf32, #tpu.memory_space<hbm>> -> memref<8192xf32, #tpu.memory_space<hbm>>
    tpu.enqueue_dma source(%dma_start3A_57 : memref<8192xf32, #tpu.memory_space<hbm>>) target(%dma_start3A_56 : memref<8192xf32, #tpu.memory_space<vmem>>) target_semaphore(%dma_start3A_54 : memref<!tpu.dma_semaphore, #tpu.memory_space<semaphore_mem>>)
    %dma_start3A_58 = arith.constant 2 : i32
    %dma_start3A_59 = arith.constant 1 : i32
    %dma_start3A_60 = arith.constant 16384 : i32
    %dma_start3A_61 = tpu.memref_slice %arg7[%dma_start3A_60] : memref<32768xf32, #tpu.memory_space<vmem>> -> memref<8192xf32, #tpu.memory_space<vmem>>
    %dma_start3A_62 = tpu.memref_slice %arg3[%add3A_47] : memref<1048576xf32, #tpu.memory_space<hbm>> -> memref<8192xf32, #tpu.memory_space<hbm>>
    %dma_start3A_63 = tpu.memref_slice %arg10[%dma_start3A_58, %dma_start3A_59] : memref<4x2x!tpu.dma_semaphore, #tpu.memory_space<semaphore_mem>> -> memref<1x1x!tpu.dma_semaphore, #tpu.memory_space<semaphore_mem>>
    %dma_start3A_64 = tpu.memref_squeeze %dma_start3A_63 : memref<1x1x!tpu.dma_semaphore, #tpu.memory_space<semaphore_mem>> -> memref<!tpu.dma_semaphore, #tpu.memory_space<semaphore_mem>>
    %dma_start3A_65 = arith.constant 16384 : i32
    %dma_start3A_66 = tpu.memref_slice %arg7[%dma_start3A_65] : memref<32768xf32, #tpu.memory_space<vmem>> -> memref<8192xf32, #tpu.memory_space<vmem>>
    %dma_start3A_67 = tpu.memref_slice %arg3[%add3A_47] : memref<1048576xf32, #tpu.memory_space<hbm>> -> memref<8192xf32, #tpu.memory_space<hbm>>
    tpu.enqueue_dma source(%dma_start3A_67 : memref<8192xf32, #tpu.memory_space<hbm>>) target(%dma_start3A_66 : memref<8192xf32, #tpu.memory_space<vmem>>) target_semaphore(%dma_start3A_64 : memref<!tpu.dma_semaphore, #tpu.memory_space<semaphore_mem>>)
    %add3A_68 = arith.constant 24576 : i32
    %add3A_69 = arith.addi %mul3A_2, %add3A_68 : i32
    %dma_start3A_70 = arith.constant 3 : i32
    %dma_start3A_71 = arith.constant 0 : i32
    %dma_start3A_72 = arith.constant 24576 : i32
    %dma_start3A_73 = tpu.memref_slice %arg6[%dma_start3A_72] : memref<32768xf32, #tpu.memory_space<vmem>> -> memref<8192xf32, #tpu.memory_space<vmem>>
    %dma_start3A_74 = tpu.memref_slice %arg2[%add3A_69] : memref<1048576xf32, #tpu.memory_space<hbm>> -> memref<8192xf32, #tpu.memory_space<hbm>>
    %dma_start3A_75 = tpu.memref_slice %arg10[%dma_start3A_70, %dma_start3A_71] : memref<4x2x!tpu.dma_semaphore, #tpu.memory_space<semaphore_mem>> -> memref<1x1x!tpu.dma_semaphore, #tpu.memory_space<semaphore_mem>>
    %dma_start3A_76 = tpu.memref_squeeze %dma_start3A_75 : memref<1x1x!tpu.dma_semaphore, #tpu.memory_space<semaphore_mem>> -> memref<!tpu.dma_semaphore, #tpu.memory_space<semaphore_mem>>
    %dma_start3A_77 = arith.constant 24576 : i32
    %dma_start3A_78 = tpu.memref_slice %arg6[%dma_start3A_77] : memref<32768xf32, #tpu.memory_space<vmem>> -> memref<8192xf32, #tpu.memory_space<vmem>>
    %dma_start3A_79 = tpu.memref_slice %arg2[%add3A_69] : memref<1048576xf32, #tpu.memory_space<hbm>> -> memref<8192xf32, #tpu.memory_space<hbm>>
    tpu.enqueue_dma source(%dma_start3A_79 : memref<8192xf32, #tpu.memory_space<hbm>>) target(%dma_start3A_78 : memref<8192xf32, #tpu.memory_space<vmem>>) target_semaphore(%dma_start3A_76 : memref<!tpu.dma_semaphore, #tpu.memory_space<semaphore_mem>>)
    %dma_start3A_80 = arith.constant 3 : i32
    %dma_start3A_81 = arith.constant 1 : i32
    %dma_start3A_82 = arith.constant 24576 : i32
    %dma_start3A_83 = tpu.memref_slice %arg7[%dma_start3A_82] : memref<32768xf32, #tpu.memory_space<vmem>> -> memref<8192xf32, #tpu.memory_space<vmem>>
    %dma_start3A_84 = tpu.memref_slice %arg3[%add3A_69] : memref<1048576xf32, #tpu.memory_space<hbm>> -> memref<8192xf32, #tpu.memory_space<hbm>>
    %dma_start3A_85 = tpu.memref_slice %arg10[%dma_start3A_80, %dma_start3A_81] : memref<4x2x!tpu.dma_semaphore, #tpu.memory_space<semaphore_mem>> -> memref<1x1x!tpu.dma_semaphore, #tpu.memory_space<semaphore_mem>>
    %dma_start3A_86 = tpu.memref_squeeze %dma_start3A_85 : memref<1x1x!tpu.dma_semaphore, #tpu.memory_space<semaphore_mem>> -> memref<!tpu.dma_semaphore, #tpu.memory_space<semaphore_mem>>
    %dma_start3A_87 = arith.constant 24576 : i32
    %dma_start3A_88 = tpu.memref_slice %arg7[%dma_start3A_87] : memref<32768xf32, #tpu.memory_space<vmem>> -> memref<8192xf32, #tpu.memory_space<vmem>>
    %dma_start3A_89 = tpu.memref_slice %arg3[%add3A_69] : memref<1048576xf32, #tpu.memory_space<hbm>> -> memref<8192xf32, #tpu.memory_space<hbm>>
    tpu.enqueue_dma source(%dma_start3A_89 : memref<8192xf32, #tpu.memory_space<hbm>>) target(%dma_start3A_88 : memref<8192xf32, #tpu.memory_space<vmem>>) target_semaphore(%dma_start3A_86 : memref<!tpu.dma_semaphore, #tpu.memory_space<semaphore_mem>>)
    tpu.wait_dma2 semaphore(%arg12 : memref<!tpu.dma_semaphore, #tpu.memory_space<semaphore_mem>>) src(%arg4 : memref<128xf32, #tpu.memory_space<hbm>>) dst(%arg9 : memref<128xf32, #tpu.memory_space<vmem>>)
    %dma_wait3A = arith.constant 0 : i32
    %dma_wait3A_90 = arith.constant 0 : i32
    %dma_wait3A_91 = arith.constant 0 : i32
    %dma_wait3A_92 = tpu.memref_slice %arg6[%dma_wait3A_91] : memref<32768xf32, #tpu.memory_space<vmem>> -> memref<8192xf32, #tpu.memory_space<vmem>>
    %dma_wait3A_93 = tpu.memref_slice %arg2[%add3A_4] : memref<1048576xf32, #tpu.memory_space<hbm>> -> memref<8192xf32, #tpu.memory_space<hbm>>
    %dma_wait3A_94 = tpu.memref_slice %arg10[%dma_wait3A, %dma_wait3A_90] : memref<4x2x!tpu.dma_semaphore, #tpu.memory_space<semaphore_mem>> -> memref<1x1x!tpu.dma_semaphore, #tpu.memory_space<semaphore_mem>>
    %dma_wait3A_95 = tpu.memref_squeeze %dma_wait3A_94 : memref<1x1x!tpu.dma_semaphore, #tpu.memory_space<semaphore_mem>> -> memref<!tpu.dma_semaphore, #tpu.memory_space<semaphore_mem>>
    %dma_wait3A_96 = arith.constant 0 : i32
    %dma_wait3A_97 = tpu.memref_slice %arg6[%dma_wait3A_96] : memref<32768xf32, #tpu.memory_space<vmem>> -> memref<8192xf32, #tpu.memory_space<vmem>>
    %dma_wait3A_98 = tpu.memref_slice %arg2[%add3A_4] : memref<1048576xf32, #tpu.memory_space<hbm>> -> memref<8192xf32, #tpu.memory_space<hbm>>
    tpu.wait_dma2 semaphore(%dma_wait3A_95 : memref<!tpu.dma_semaphore, #tpu.memory_space<semaphore_mem>>) src(%dma_wait3A_98 : memref<8192xf32, #tpu.memory_space<hbm>>) dst(%dma_wait3A_97 : memref<8192xf32, #tpu.memory_space<vmem>>)
    %dma_wait3A_99 = arith.constant 0 : i32
    %dma_wait3A_100 = arith.constant 1 : i32
    %dma_wait3A_101 = arith.constant 0 : i32
    %dma_wait3A_102 = tpu.memref_slice %arg7[%dma_wait3A_101] : memref<32768xf32, #tpu.memory_space<vmem>> -> memref<8192xf32, #tpu.memory_space<vmem>>
    %dma_wait3A_103 = tpu.memref_slice %arg3[%add3A_4] : memref<1048576xf32, #tpu.memory_space<hbm>> -> memref<8192xf32, #tpu.memory_space<hbm>>
    %dma_wait3A_104 = tpu.memref_slice %arg10[%dma_wait3A_99, %dma_wait3A_100] : memref<4x2x!tpu.dma_semaphore, #tpu.memory_space<semaphore_mem>> -> memref<1x1x!tpu.dma_semaphore, #tpu.memory_space<semaphore_mem>>
    %dma_wait3A_105 = tpu.memref_squeeze %dma_wait3A_104 : memref<1x1x!tpu.dma_semaphore, #tpu.memory_space<semaphore_mem>> -> memref<!tpu.dma_semaphore, #tpu.memory_space<semaphore_mem>>
    %dma_wait3A_106 = arith.constant 0 : i32
    %dma_wait3A_107 = tpu.memref_slice %arg7[%dma_wait3A_106] : memref<32768xf32, #tpu.memory_space<vmem>> -> memref<8192xf32, #tpu.memory_space<vmem>>
    %dma_wait3A_108 = tpu.memref_slice %arg3[%add3A_4] : memref<1048576xf32, #tpu.memory_space<hbm>> -> memref<8192xf32, #tpu.memory_space<hbm>>
    tpu.wait_dma2 semaphore(%dma_wait3A_105 : memref<!tpu.dma_semaphore, #tpu.memory_space<semaphore_mem>>) src(%dma_wait3A_108 : memref<8192xf32, #tpu.memory_space<hbm>>) dst(%dma_wait3A_107 : memref<8192xf32, #tpu.memory_space<vmem>>)
    %parallel_loop3A = arith.constant 0 : i32
    %parallel_loop3A_109 = arith.constant 8192 : i32
    %parallel_loop3A_110 = arith.constant 16 : i32
    scf.for %parallel_loop3A_260 = %parallel_loop3A to %parallel_loop3A_109 step %parallel_loop3A_110  : i32 {
      %parallel_loop3A_261 = arith.index_cast %parallel_loop3A_260 : i32 to index
      %parallel_loop3A_262 = tpu.vector_load %arg6[%parallel_loop3A_261] {strides = array<i32>} : memref<32768xf32, #tpu.memory_space<vmem>>, vector<16xf32>,
      %parallel_loop3A_263 = arith.index_cast %parallel_loop3A_260 : i32 to index
      %parallel_loop3A_264 = tpu.vector_load %arg7[%parallel_loop3A_263] {strides = array<i32>} : memref<32768xf32, #tpu.memory_space<vmem>>, vector<16xf32>,
      %parallel_loop3A_265 = arith.constant 0.000000e+00 : f32
      %parallel_loop3A_266 = vector.broadcast %parallel_loop3A_265 : f32 to vector<16xf32>
      %parallel_loop3A_267 = arith.maximumf %parallel_loop3A_262, %parallel_loop3A_266 : vector<16xf32>
      %parallel_loop3A_268 = arith.constant 1.270000e+02 : f32
      %parallel_loop3A_269 = vector.broadcast %parallel_loop3A_268 : f32 to vector<16xf32>
      %parallel_loop3A_270 = arith.minimumf %parallel_loop3A_267, %parallel_loop3A_269 : vector<16xf32>
      %parallel_loop3A_271 = arith.constant 0x4B400000 : f32
      %parallel_loop3A_272 = vector.broadcast %parallel_loop3A_271 : f32 to vector<16xf32>
      %parallel_loop3A_273 = arith.addf %parallel_loop3A_270, %parallel_loop3A_272 : vector<16xf32>
      %parallel_loop3A_274 = vector.bitcast %parallel_loop3A_273 : vector<16xf32> to vector<16xi32>
      %parallel_loop3A_275 = arith.constant 4194303 : i32
      %parallel_loop3A_276 = vector.broadcast %parallel_loop3A_275 : i32 to vector<16xi32>
      %parallel_loop3A_277 = arith.andi %parallel_loop3A_274, %parallel_loop3A_276 : vector<16xi32>
      %parallel_loop3A_278 = tpu.vector_load_idx %arg9[%parallel_loop3A_277] : memref<128xf32, #tpu.memory_space<vmem>>[vector<16xi32>], vector<16xf32>,
      %parallel_loop3A_279 = arith.addf %parallel_loop3A_262, %parallel_loop3A_264 : vector<16xf32>
      %parallel_loop3A_280 = arith.addf %parallel_loop3A_279, %parallel_loop3A_278 : vector<16xf32>
      %parallel_loop3A_281 = arith.constant 0.0577622652 : f32
      %parallel_loop3A_282 = vector.broadcast %parallel_loop3A_281 : f32 to vector<16xf32>
      %parallel_loop3A_283 = arith.mulf %parallel_loop3A_280, %parallel_loop3A_282 : vector<16xf32>
      %parallel_loop3A_284 = arith.constant 2.10117841 : f32
      %parallel_loop3A_285 = vector.broadcast %parallel_loop3A_284 : f32 to vector<16xf32>
      %parallel_loop3A_286 = arith.addf %parallel_loop3A_283, %parallel_loop3A_285 : vector<16xf32>
      %parallel_loop3A_287 = math.exp %parallel_loop3A_286 : vector<16xf32>
      %parallel_loop3A_288 = arith.index_cast %parallel_loop3A_260 : i32 to index
      %parallel_loop3A_289 = tpu.vector_load %arg8[%parallel_loop3A_288] {strides = array<i32>} : memref<32768xf32, #tpu.memory_space<vmem>>, vector<16xf32>,
      tpu.vector_store %arg8[%parallel_loop3A_288], %parallel_loop3A_287 {strides = array<i32>} : memref<32768xf32, #tpu.memory_space<vmem>>, vector<16xf32>,
    } {sc.loop_unroll_factor = 8 : i64, sc.parallel_access}
    %add3A_111 = arith.constant 0 : i32
    %add3A_112 = arith.addi %mul3A_2, %add3A_111 : i32
    %dma_start3A_113 = arith.constant 0 : i32
    %dma_start3A_114 = arith.constant 0 : i32
    %dma_start3A_115 = tpu.memref_slice %arg8[%dma_start3A_114] : memref<32768xf32, #tpu.memory_space<vmem>> -> memref<8192xf32, #tpu.memory_space<vmem>>
    %dma_start3A_116 = tpu.memref_slice %arg5[%add3A_112] : memref<1048576xf32, #tpu.memory_space<hbm>> -> memref<8192xf32, #tpu.memory_space<hbm>>
    %dma_start3A_117 = tpu.memref_slice %arg11[%dma_start3A_113] : memref<4x!tpu.dma_semaphore, #tpu.memory_space<semaphore_mem>> -> memref<1x!tpu.dma_semaphore, #tpu.memory_space<semaphore_mem>>
    %dma_start3A_118 = tpu.memref_squeeze %dma_start3A_117 : memref<1x!tpu.dma_semaphore, #tpu.memory_space<semaphore_mem>> -> memref<!tpu.dma_semaphore, #tpu.memory_space<semaphore_mem>>
    %dma_start3A_119 = tpu.memref_slice %arg5[%add3A_112] : memref<1048576xf32, #tpu.memory_space<hbm>> -> memref<8192xf32, #tpu.memory_space<hbm>>
    %dma_start3A_120 = arith.constant 0 : i32
    %dma_start3A_121 = tpu.memref_slice %arg8[%dma_start3A_120] : memref<32768xf32, #tpu.memory_space<vmem>> -> memref<8192xf32, #tpu.memory_space<vmem>>
    tpu.enqueue_dma source(%dma_start3A_121 : memref<8192xf32, #tpu.memory_space<vmem>>) target(%dma_start3A_119 : memref<8192xf32, #tpu.memory_space<hbm>>) target_semaphore(%dma_start3A_118 : memref<!tpu.dma_semaphore, #tpu.memory_space<semaphore_mem>>)
    %dma_wait3A_122 = arith.constant 1 : i32
    %dma_wait3A_123 = arith.constant 0 : i32
    %dma_wait3A_124 = arith.constant 8192 : i32
    %dma_wait3A_125 = tpu.memref_slice %arg6[%dma_wait3A_124] : memref<32768xf32, #tpu.memory_space<vmem>> -> memref<8192xf32, #tpu.memory_space<vmem>>
    %dma_wait3A_126 = tpu.memref_slice %arg2[%add3A_25] : memref<1048576xf32, #tpu.memory_space<hbm>> -> memref<8192xf32, #tpu.memory_space<hbm>>
    %dma_wait3A_127 = tpu.memref_slice %arg10[%dma_wait3A_122, %dma_wait3A_123] : memref<4x2x!tpu.dma_semaphore, #tpu.memory_space<semaphore_mem>> -> memref<1x1x!tpu.dma_semaphore, #tpu.memory_space<semaphore_mem>>
    %dma_wait3A_128 = tpu.memref_squeeze %dma_wait3A_127 : memref<1x1x!tpu.dma_semaphore, #tpu.memory_space<semaphore_mem>> -> memref<!tpu.dma_semaphore, #tpu.memory_space<semaphore_mem>>
    %dma_wait3A_129 = arith.constant 8192 : i32
    %dma_wait3A_130 = tpu.memref_slice %arg6[%dma_wait3A_129] : memref<32768xf32, #tpu.memory_space<vmem>> -> memref<8192xf32, #tpu.memory_space<vmem>>
    %dma_wait3A_131 = tpu.memref_slice %arg2[%add3A_25] : memref<1048576xf32, #tpu.memory_space<hbm>> -> memref<8192xf32, #tpu.memory_space<hbm>>
    tpu.wait_dma2 semaphore(%dma_wait3A_128 : memref<!tpu.dma_semaphore, #tpu.memory_space<semaphore_mem>>) src(%dma_wait3A_131 : memref<8192xf32, #tpu.memory_space<hbm>>) dst(%dma_wait3A_130 : memref<8192xf32, #tpu.memory_space<vmem>>)
    %dma_wait3A_132 = arith.constant 1 : i32
    %dma_wait3A_133 = arith.constant 1 : i32
    %dma_wait3A_134 = arith.constant 8192 : i32
    %dma_wait3A_135 = tpu.memref_slice %arg7[%dma_wait3A_134] : memref<32768xf32, #tpu.memory_space<vmem>> -> memref<8192xf32, #tpu.memory_space<vmem>>
    %dma_wait3A_136 = tpu.memref_slice %arg3[%add3A_25] : memref<1048576xf32, #tpu.memory_space<hbm>> -> memref<8192xf32, #tpu.memory_space<hbm>>
    %dma_wait3A_137 = tpu.memref_slice %arg10[%dma_wait3A_132, %dma_wait3A_133] : memref<4x2x!tpu.dma_semaphore, #tpu.memory_space<semaphore_mem>> -> memref<1x1x!tpu.dma_semaphore, #tpu.memory_space<semaphore_mem>>
    %dma_wait3A_138 = tpu.memref_squeeze %dma_wait3A_137 : memref<1x1x!tpu.dma_semaphore, #tpu.memory_space<semaphore_mem>> -> memref<!tpu.dma_semaphore, #tpu.memory_space<semaphore_mem>>
    %dma_wait3A_139 = arith.constant 8192 : i32
    %dma_wait3A_140 = tpu.memref_slice %arg7[%dma_wait3A_139] : memref<32768xf32, #tpu.memory_space<vmem>> -> memref<8192xf32, #tpu.memory_space<vmem>>
    %dma_wait3A_141 = tpu.memref_slice %arg3[%add3A_25] : memref<1048576xf32, #tpu.memory_space<hbm>> -> memref<8192xf32, #tpu.memory_space<hbm>>
    tpu.wait_dma2 semaphore(%dma_wait3A_138 : memref<!tpu.dma_semaphore, #tpu.memory_space<semaphore_mem>>) src(%dma_wait3A_141 : memref<8192xf32, #tpu.memory_space<hbm>>) dst(%dma_wait3A_140 : memref<8192xf32, #tpu.memory_space<vmem>>)
    %parallel_loop3A_142 = arith.constant 8192 : i32
    %parallel_loop3A_143 = arith.constant 16384 : i32
    %parallel_loop3A_144 = arith.constant 16 : i32
    scf.for %parallel_loop3A_260 = %parallel_loop3A_142 to %parallel_loop3A_143 step %parallel_loop3A_144  : i32 {
      %parallel_loop3A_261 = arith.index_cast %parallel_loop3A_260 : i32 to index
      %parallel_loop3A_262 = tpu.vector_load %arg6[%parallel_loop3A_261] {strides = array<i32>} : memref<32768xf32, #tpu.memory_space<vmem>>, vector<16xf32>,
      %parallel_loop3A_263 = arith.index_cast %parallel_loop3A_260 : i32 to index
      %parallel_loop3A_264 = tpu.vector_load %arg7[%parallel_loop3A_263] {strides = array<i32>} : memref<32768xf32, #tpu.memory_space<vmem>>, vector<16xf32>,
      %parallel_loop3A_265 = arith.constant 0.000000e+00 : f32
      %parallel_loop3A_266 = vector.broadcast %parallel_loop3A_265 : f32 to vector<16xf32>
      %parallel_loop3A_267 = arith.maximumf %parallel_loop3A_262, %parallel_loop3A_266 : vector<16xf32>
      %parallel_loop3A_268 = arith.constant 1.270000e+02 : f32
      %parallel_loop3A_269 = vector.broadcast %parallel_loop3A_268 : f32 to vector<16xf32>
      %parallel_loop3A_270 = arith.minimumf %parallel_loop3A_267, %parallel_loop3A_269 : vector<16xf32>
      %parallel_loop3A_271 = arith.constant 0x4B400000 : f32
      %parallel_loop3A_272 = vector.broadcast %parallel_loop3A_271 : f32 to vector<16xf32>
      %parallel_loop3A_273 = arith.addf %parallel_loop3A_270, %parallel_loop3A_272 : vector<16xf32>
      %parallel_loop3A_274 = vector.bitcast %parallel_loop3A_273 : vector<16xf32> to vector<16xi32>
      %parallel_loop3A_275 = arith.constant 4194303 : i32
      %parallel_loop3A_276 = vector.broadcast %parallel_loop3A_275 : i32 to vector<16xi32>
      %parallel_loop3A_277 = arith.andi %parallel_loop3A_274, %parallel_loop3A_276 : vector<16xi32>
      %parallel_loop3A_278 = tpu.vector_load_idx %arg9[%parallel_loop3A_277] : memref<128xf32, #tpu.memory_space<vmem>>[vector<16xi32>], vector<16xf32>,
      %parallel_loop3A_279 = arith.addf %parallel_loop3A_262, %parallel_loop3A_264 : vector<16xf32>
      %parallel_loop3A_280 = arith.addf %parallel_loop3A_279, %parallel_loop3A_278 : vector<16xf32>
      %parallel_loop3A_281 = arith.constant 0.0577622652 : f32
      %parallel_loop3A_282 = vector.broadcast %parallel_loop3A_281 : f32 to vector<16xf32>
      %parallel_loop3A_283 = arith.mulf %parallel_loop3A_280, %parallel_loop3A_282 : vector<16xf32>
      %parallel_loop3A_284 = arith.constant 2.10117841 : f32
      %parallel_loop3A_285 = vector.broadcast %parallel_loop3A_284 : f32 to vector<16xf32>
      %parallel_loop3A_286 = arith.addf %parallel_loop3A_283, %parallel_loop3A_285 : vector<16xf32>
      %parallel_loop3A_287 = math.exp %parallel_loop3A_286 : vector<16xf32>
      %parallel_loop3A_288 = arith.index_cast %parallel_loop3A_260 : i32 to index
      %parallel_loop3A_289 = tpu.vector_load %arg8[%parallel_loop3A_288] {strides = array<i32>} : memref<32768xf32, #tpu.memory_space<vmem>>, vector<16xf32>,
      tpu.vector_store %arg8[%parallel_loop3A_288], %parallel_loop3A_287 {strides = array<i32>} : memref<32768xf32, #tpu.memory_space<vmem>>, vector<16xf32>,
    } {sc.loop_unroll_factor = 8 : i64, sc.parallel_access}
    %add3A_145 = arith.constant 8192 : i32
    %add3A_146 = arith.addi %mul3A_2, %add3A_145 : i32
    %dma_start3A_147 = arith.constant 1 : i32
    %dma_start3A_148 = arith.constant 8192 : i32
    %dma_start3A_149 = tpu.memref_slice %arg8[%dma_start3A_148] : memref<32768xf32, #tpu.memory_space<vmem>> -> memref<8192xf32, #tpu.memory_space<vmem>>
    %dma_start3A_150 = tpu.memref_slice %arg5[%add3A_146] : memref<1048576xf32, #tpu.memory_space<hbm>> -> memref<8192xf32, #tpu.memory_space<hbm>>
    %dma_start3A_151 = tpu.memref_slice %arg11[%dma_start3A_147] : memref<4x!tpu.dma_semaphore, #tpu.memory_space<semaphore_mem>> -> memref<1x!tpu.dma_semaphore, #tpu.memory_space<semaphore_mem>>
    %dma_start3A_152 = tpu.memref_squeeze %dma_start3A_151 : memref<1x!tpu.dma_semaphore, #tpu.memory_space<semaphore_mem>> -> memref<!tpu.dma_semaphore, #tpu.memory_space<semaphore_mem>>
    %dma_start3A_153 = tpu.memref_slice %arg5[%add3A_146] : memref<1048576xf32, #tpu.memory_space<hbm>> -> memref<8192xf32, #tpu.memory_space<hbm>>
    %dma_start3A_154 = arith.constant 8192 : i32
    %dma_start3A_155 = tpu.memref_slice %arg8[%dma_start3A_154] : memref<32768xf32, #tpu.memory_space<vmem>> -> memref<8192xf32, #tpu.memory_space<vmem>>
    tpu.enqueue_dma source(%dma_start3A_155 : memref<8192xf32, #tpu.memory_space<vmem>>) target(%dma_start3A_153 : memref<8192xf32, #tpu.memory_space<hbm>>) target_semaphore(%dma_start3A_152 : memref<!tpu.dma_semaphore, #tpu.memory_space<semaphore_mem>>)
    %dma_wait3A_156 = arith.constant 2 : i32
    %dma_wait3A_157 = arith.constant 0 : i32
    %dma_wait3A_158 = arith.constant 16384 : i32
    %dma_wait3A_159 = tpu.memref_slice %arg6[%dma_wait3A_158] : memref<32768xf32, #tpu.memory_space<vmem>> -> memref<8192xf32, #tpu.memory_space<vmem>>
    %dma_wait3A_160 = tpu.memref_slice %arg2[%add3A_47] : memref<1048576xf32, #tpu.memory_space<hbm>> -> memref<8192xf32, #tpu.memory_space<hbm>>
    %dma_wait3A_161 = tpu.memref_slice %arg10[%dma_wait3A_156, %dma_wait3A_157] : memref<4x2x!tpu.dma_semaphore, #tpu.memory_space<semaphore_mem>> -> memref<1x1x!tpu.dma_semaphore, #tpu.memory_space<semaphore_mem>>
    %dma_wait3A_162 = tpu.memref_squeeze %dma_wait3A_161 : memref<1x1x!tpu.dma_semaphore, #tpu.memory_space<semaphore_mem>> -> memref<!tpu.dma_semaphore, #tpu.memory_space<semaphore_mem>>
    %dma_wait3A_163 = arith.constant 16384 : i32
    %dma_wait3A_164 = tpu.memref_slice %arg6[%dma_wait3A_163] : memref<32768xf32, #tpu.memory_space<vmem>> -> memref<8192xf32, #tpu.memory_space<vmem>>
    %dma_wait3A_165 = tpu.memref_slice %arg2[%add3A_47] : memref<1048576xf32, #tpu.memory_space<hbm>> -> memref<8192xf32, #tpu.memory_space<hbm>>
    tpu.wait_dma2 semaphore(%dma_wait3A_162 : memref<!tpu.dma_semaphore, #tpu.memory_space<semaphore_mem>>) src(%dma_wait3A_165 : memref<8192xf32, #tpu.memory_space<hbm>>) dst(%dma_wait3A_164 : memref<8192xf32, #tpu.memory_space<vmem>>)
    %dma_wait3A_166 = arith.constant 2 : i32
    %dma_wait3A_167 = arith.constant 1 : i32
    %dma_wait3A_168 = arith.constant 16384 : i32
    %dma_wait3A_169 = tpu.memref_slice %arg7[%dma_wait3A_168] : memref<32768xf32, #tpu.memory_space<vmem>> -> memref<8192xf32, #tpu.memory_space<vmem>>
    %dma_wait3A_170 = tpu.memref_slice %arg3[%add3A_47] : memref<1048576xf32, #tpu.memory_space<hbm>> -> memref<8192xf32, #tpu.memory_space<hbm>>
    %dma_wait3A_171 = tpu.memref_slice %arg10[%dma_wait3A_166, %dma_wait3A_167] : memref<4x2x!tpu.dma_semaphore, #tpu.memory_space<semaphore_mem>> -> memref<1x1x!tpu.dma_semaphore, #tpu.memory_space<semaphore_mem>>
    %dma_wait3A_172 = tpu.memref_squeeze %dma_wait3A_171 : memref<1x1x!tpu.dma_semaphore, #tpu.memory_space<semaphore_mem>> -> memref<!tpu.dma_semaphore, #tpu.memory_space<semaphore_mem>>
    %dma_wait3A_173 = arith.constant 16384 : i32
    %dma_wait3A_174 = tpu.memref_slice %arg7[%dma_wait3A_173] : memref<32768xf32, #tpu.memory_space<vmem>> -> memref<8192xf32, #tpu.memory_space<vmem>>
    %dma_wait3A_175 = tpu.memref_slice %arg3[%add3A_47] : memref<1048576xf32, #tpu.memory_space<hbm>> -> memref<8192xf32, #tpu.memory_space<hbm>>
    tpu.wait_dma2 semaphore(%dma_wait3A_172 : memref<!tpu.dma_semaphore, #tpu.memory_space<semaphore_mem>>) src(%dma_wait3A_175 : memref<8192xf32, #tpu.memory_space<hbm>>) dst(%dma_wait3A_174 : memref<8192xf32, #tpu.memory_space<vmem>>)
    %parallel_loop3A_176 = arith.constant 16384 : i32
    %parallel_loop3A_177 = arith.constant 24576 : i32
    %parallel_loop3A_178 = arith.constant 16 : i32
    scf.for %parallel_loop3A_260 = %parallel_loop3A_176 to %parallel_loop3A_177 step %parallel_loop3A_178  : i32 {
      %parallel_loop3A_261 = arith.index_cast %parallel_loop3A_260 : i32 to index
      %parallel_loop3A_262 = tpu.vector_load %arg6[%parallel_loop3A_261] {strides = array<i32>} : memref<32768xf32, #tpu.memory_space<vmem>>, vector<16xf32>,
      %parallel_loop3A_263 = arith.index_cast %parallel_loop3A_260 : i32 to index
      %parallel_loop3A_264 = tpu.vector_load %arg7[%parallel_loop3A_263] {strides = array<i32>} : memref<32768xf32, #tpu.memory_space<vmem>>, vector<16xf32>,
      %parallel_loop3A_265 = arith.constant 0.000000e+00 : f32
      %parallel_loop3A_266 = vector.broadcast %parallel_loop3A_265 : f32 to vector<16xf32>
      %parallel_loop3A_267 = arith.maximumf %parallel_loop3A_262, %parallel_loop3A_266 : vector<16xf32>
      %parallel_loop3A_268 = arith.constant 1.270000e+02 : f32
      %parallel_loop3A_269 = vector.broadcast %parallel_loop3A_268 : f32 to vector<16xf32>
      %parallel_loop3A_270 = arith.minimumf %parallel_loop3A_267, %parallel_loop3A_269 : vector<16xf32>
      %parallel_loop3A_271 = arith.constant 0x4B400000 : f32
      %parallel_loop3A_272 = vector.broadcast %parallel_loop3A_271 : f32 to vector<16xf32>
      %parallel_loop3A_273 = arith.addf %parallel_loop3A_270, %parallel_loop3A_272 : vector<16xf32>
      %parallel_loop3A_274 = vector.bitcast %parallel_loop3A_273 : vector<16xf32> to vector<16xi32>
      %parallel_loop3A_275 = arith.constant 4194303 : i32
      %parallel_loop3A_276 = vector.broadcast %parallel_loop3A_275 : i32 to vector<16xi32>
      %parallel_loop3A_277 = arith.andi %parallel_loop3A_274, %parallel_loop3A_276 : vector<16xi32>
      %parallel_loop3A_278 = tpu.vector_load_idx %arg9[%parallel_loop3A_277] : memref<128xf32, #tpu.memory_space<vmem>>[vector<16xi32>], vector<16xf32>,
      %parallel_loop3A_279 = arith.addf %parallel_loop3A_262, %parallel_loop3A_264 : vector<16xf32>
      %parallel_loop3A_280 = arith.addf %parallel_loop3A_279, %parallel_loop3A_278 : vector<16xf32>
      %parallel_loop3A_281 = arith.constant 0.0577622652 : f32
      %parallel_loop3A_282 = vector.broadcast %parallel_loop3A_281 : f32 to vector<16xf32>
      %parallel_loop3A_283 = arith.mulf %parallel_loop3A_280, %parallel_loop3A_282 : vector<16xf32>
      %parallel_loop3A_284 = arith.constant 2.10117841 : f32
      %parallel_loop3A_285 = vector.broadcast %parallel_loop3A_284 : f32 to vector<16xf32>
      %parallel_loop3A_286 = arith.addf %parallel_loop3A_283, %parallel_loop3A_285 : vector<16xf32>
      %parallel_loop3A_287 = math.exp %parallel_loop3A_286 : vector<16xf32>
      %parallel_loop3A_288 = arith.index_cast %parallel_loop3A_260 : i32 to index
      %parallel_loop3A_289 = tpu.vector_load %arg8[%parallel_loop3A_288] {strides = array<i32>} : memref<32768xf32, #tpu.memory_space<vmem>>, vector<16xf32>,
      tpu.vector_store %arg8[%parallel_loop3A_288], %parallel_loop3A_287 {strides = array<i32>} : memref<32768xf32, #tpu.memory_space<vmem>>, vector<16xf32>,
    } {sc.loop_unroll_factor = 8 : i64, sc.parallel_access}
    %add3A_179 = arith.constant 16384 : i32
    %add3A_180 = arith.addi %mul3A_2, %add3A_179 : i32
    %dma_start3A_181 = arith.constant 2 : i32
    %dma_start3A_182 = arith.constant 16384 : i32
    %dma_start3A_183 = tpu.memref_slice %arg8[%dma_start3A_182] : memref<32768xf32, #tpu.memory_space<vmem>> -> memref<8192xf32, #tpu.memory_space<vmem>>
    %dma_start3A_184 = tpu.memref_slice %arg5[%add3A_180] : memref<1048576xf32, #tpu.memory_space<hbm>> -> memref<8192xf32, #tpu.memory_space<hbm>>
    %dma_start3A_185 = tpu.memref_slice %arg11[%dma_start3A_181] : memref<4x!tpu.dma_semaphore, #tpu.memory_space<semaphore_mem>> -> memref<1x!tpu.dma_semaphore, #tpu.memory_space<semaphore_mem>>
    %dma_start3A_186 = tpu.memref_squeeze %dma_start3A_185 : memref<1x!tpu.dma_semaphore, #tpu.memory_space<semaphore_mem>> -> memref<!tpu.dma_semaphore, #tpu.memory_space<semaphore_mem>>
    %dma_start3A_187 = tpu.memref_slice %arg5[%add3A_180] : memref<1048576xf32, #tpu.memory_space<hbm>> -> memref<8192xf32, #tpu.memory_space<hbm>>
    %dma_start3A_188 = arith.constant 16384 : i32
    %dma_start3A_189 = tpu.memref_slice %arg8[%dma_start3A_188] : memref<32768xf32, #tpu.memory_space<vmem>> -> memref<8192xf32, #tpu.memory_space<vmem>>
    tpu.enqueue_dma source(%dma_start3A_189 : memref<8192xf32, #tpu.memory_space<vmem>>) target(%dma_start3A_187 : memref<8192xf32, #tpu.memory_space<hbm>>) target_semaphore(%dma_start3A_186 : memref<!tpu.dma_semaphore, #tpu.memory_space<semaphore_mem>>)
    %dma_wait3A_190 = arith.constant 3 : i32
    %dma_wait3A_191 = arith.constant 0 : i32
    %dma_wait3A_192 = arith.constant 24576 : i32
    %dma_wait3A_193 = tpu.memref_slice %arg6[%dma_wait3A_192] : memref<32768xf32, #tpu.memory_space<vmem>> -> memref<8192xf32, #tpu.memory_space<vmem>>
    %dma_wait3A_194 = tpu.memref_slice %arg2[%add3A_69] : memref<1048576xf32, #tpu.memory_space<hbm>> -> memref<8192xf32, #tpu.memory_space<hbm>>
    %dma_wait3A_195 = tpu.memref_slice %arg10[%dma_wait3A_190, %dma_wait3A_191] : memref<4x2x!tpu.dma_semaphore, #tpu.memory_space<semaphore_mem>> -> memref<1x1x!tpu.dma_semaphore, #tpu.memory_space<semaphore_mem>>
    %dma_wait3A_196 = tpu.memref_squeeze %dma_wait3A_195 : memref<1x1x!tpu.dma_semaphore, #tpu.memory_space<semaphore_mem>> -> memref<!tpu.dma_semaphore, #tpu.memory_space<semaphore_mem>>
    %dma_wait3A_197 = arith.constant 24576 : i32
    %dma_wait3A_198 = tpu.memref_slice %arg6[%dma_wait3A_197] : memref<32768xf32, #tpu.memory_space<vmem>> -> memref<8192xf32, #tpu.memory_space<vmem>>
    %dma_wait3A_199 = tpu.memref_slice %arg2[%add3A_69] : memref<1048576xf32, #tpu.memory_space<hbm>> -> memref<8192xf32, #tpu.memory_space<hbm>>
    tpu.wait_dma2 semaphore(%dma_wait3A_196 : memref<!tpu.dma_semaphore, #tpu.memory_space<semaphore_mem>>) src(%dma_wait3A_199 : memref<8192xf32, #tpu.memory_space<hbm>>) dst(%dma_wait3A_198 : memref<8192xf32, #tpu.memory_space<vmem>>)
    %dma_wait3A_200 = arith.constant 3 : i32
    %dma_wait3A_201 = arith.constant 1 : i32
    %dma_wait3A_202 = arith.constant 24576 : i32
    %dma_wait3A_203 = tpu.memref_slice %arg7[%dma_wait3A_202] : memref<32768xf32, #tpu.memory_space<vmem>> -> memref<8192xf32, #tpu.memory_space<vmem>>
    %dma_wait3A_204 = tpu.memref_slice %arg3[%add3A_69] : memref<1048576xf32, #tpu.memory_space<hbm>> -> memref<8192xf32, #tpu.memory_space<hbm>>
    %dma_wait3A_205 = tpu.memref_slice %arg10[%dma_wait3A_200, %dma_wait3A_201] : memref<4x2x!tpu.dma_semaphore, #tpu.memory_space<semaphore_mem>> -> memref<1x1x!tpu.dma_semaphore, #tpu.memory_space<semaphore_mem>>
    %dma_wait3A_206 = tpu.memref_squeeze %dma_wait3A_205 : memref<1x1x!tpu.dma_semaphore, #tpu.memory_space<semaphore_mem>> -> memref<!tpu.dma_semaphore, #tpu.memory_space<semaphore_mem>>
    %dma_wait3A_207 = arith.constant 24576 : i32
    %dma_wait3A_208 = tpu.memref_slice %arg7[%dma_wait3A_207] : memref<32768xf32, #tpu.memory_space<vmem>> -> memref<8192xf32, #tpu.memory_space<vmem>>
    %dma_wait3A_209 = tpu.memref_slice %arg3[%add3A_69] : memref<1048576xf32, #tpu.memory_space<hbm>> -> memref<8192xf32, #tpu.memory_space<hbm>>
    tpu.wait_dma2 semaphore(%dma_wait3A_206 : memref<!tpu.dma_semaphore, #tpu.memory_space<semaphore_mem>>) src(%dma_wait3A_209 : memref<8192xf32, #tpu.memory_space<hbm>>) dst(%dma_wait3A_208 : memref<8192xf32, #tpu.memory_space<vmem>>)
    %parallel_loop3A_210 = arith.constant 24576 : i32
    %parallel_loop3A_211 = arith.constant 32768 : i32
    %parallel_loop3A_212 = arith.constant 16 : i32
    scf.for %parallel_loop3A_260 = %parallel_loop3A_210 to %parallel_loop3A_211 step %parallel_loop3A_212  : i32 {
      %parallel_loop3A_261 = arith.index_cast %parallel_loop3A_260 : i32 to index
      %parallel_loop3A_262 = tpu.vector_load %arg6[%parallel_loop3A_261] {strides = array<i32>} : memref<32768xf32, #tpu.memory_space<vmem>>, vector<16xf32>,
      %parallel_loop3A_263 = arith.index_cast %parallel_loop3A_260 : i32 to index
      %parallel_loop3A_264 = tpu.vector_load %arg7[%parallel_loop3A_263] {strides = array<i32>} : memref<32768xf32, #tpu.memory_space<vmem>>, vector<16xf32>,
      %parallel_loop3A_265 = arith.constant 0.000000e+00 : f32
      %parallel_loop3A_266 = vector.broadcast %parallel_loop3A_265 : f32 to vector<16xf32>
      %parallel_loop3A_267 = arith.maximumf %parallel_loop3A_262, %parallel_loop3A_266 : vector<16xf32>
      %parallel_loop3A_268 = arith.constant 1.270000e+02 : f32
      %parallel_loop3A_269 = vector.broadcast %parallel_loop3A_268 : f32 to vector<16xf32>
      %parallel_loop3A_270 = arith.minimumf %parallel_loop3A_267, %parallel_loop3A_269 : vector<16xf32>
      %parallel_loop3A_271 = arith.constant 0x4B400000 : f32
      %parallel_loop3A_272 = vector.broadcast %parallel_loop3A_271 : f32 to vector<16xf32>
      %parallel_loop3A_273 = arith.addf %parallel_loop3A_270, %parallel_loop3A_272 : vector<16xf32>
      %parallel_loop3A_274 = vector.bitcast %parallel_loop3A_273 : vector<16xf32> to vector<16xi32>
      %parallel_loop3A_275 = arith.constant 4194303 : i32
      %parallel_loop3A_276 = vector.broadcast %parallel_loop3A_275 : i32 to vector<16xi32>
      %parallel_loop3A_277 = arith.andi %parallel_loop3A_274, %parallel_loop3A_276 : vector<16xi32>
      %parallel_loop3A_278 = tpu.vector_load_idx %arg9[%parallel_loop3A_277] : memref<128xf32, #tpu.memory_space<vmem>>[vector<16xi32>], vector<16xf32>,
      %parallel_loop3A_279 = arith.addf %parallel_loop3A_262, %parallel_loop3A_264 : vector<16xf32>
      %parallel_loop3A_280 = arith.addf %parallel_loop3A_279, %parallel_loop3A_278 : vector<16xf32>
      %parallel_loop3A_281 = arith.constant 0.0577622652 : f32
      %parallel_loop3A_282 = vector.broadcast %parallel_loop3A_281 : f32 to vector<16xf32>
      %parallel_loop3A_283 = arith.mulf %parallel_loop3A_280, %parallel_loop3A_282 : vector<16xf32>
      %parallel_loop3A_284 = arith.constant 2.10117841 : f32
      %parallel_loop3A_285 = vector.broadcast %parallel_loop3A_284 : f32 to vector<16xf32>
      %parallel_loop3A_286 = arith.addf %parallel_loop3A_283, %parallel_loop3A_285 : vector<16xf32>
      %parallel_loop3A_287 = math.exp %parallel_loop3A_286 : vector<16xf32>
      %parallel_loop3A_288 = arith.index_cast %parallel_loop3A_260 : i32 to index
      %parallel_loop3A_289 = tpu.vector_load %arg8[%parallel_loop3A_288] {strides = array<i32>} : memref<32768xf32, #tpu.memory_space<vmem>>, vector<16xf32>,
      tpu.vector_store %arg8[%parallel_loop3A_288], %parallel_loop3A_287 {strides = array<i32>} : memref<32768xf32, #tpu.memory_space<vmem>>, vector<16xf32>,
    } {sc.loop_unroll_factor = 8 : i64, sc.parallel_access}
    %add3A_213 = arith.constant 24576 : i32
    %add3A_214 = arith.addi %mul3A_2, %add3A_213 : i32
    %dma_start3A_215 = arith.constant 3 : i32
    %dma_start3A_216 = arith.constant 24576 : i32
    %dma_start3A_217 = tpu.memref_slice %arg8[%dma_start3A_216] : memref<32768xf32, #tpu.memory_space<vmem>> -> memref<8192xf32, #tpu.memory_space<vmem>>
    %dma_start3A_218 = tpu.memref_slice %arg5[%add3A_214] : memref<1048576xf32, #tpu.memory_space<hbm>> -> memref<8192xf32, #tpu.memory_space<hbm>>
    %dma_start3A_219 = tpu.memref_slice %arg11[%dma_start3A_215] : memref<4x!tpu.dma_semaphore, #tpu.memory_space<semaphore_mem>> -> memref<1x!tpu.dma_semaphore, #tpu.memory_space<semaphore_mem>>
    %dma_start3A_220 = tpu.memref_squeeze %dma_start3A_219 : memref<1x!tpu.dma_semaphore, #tpu.memory_space<semaphore_mem>> -> memref<!tpu.dma_semaphore, #tpu.memory_space<semaphore_mem>>
    %dma_start3A_221 = tpu.memref_slice %arg5[%add3A_214] : memref<1048576xf32, #tpu.memory_space<hbm>> -> memref<8192xf32, #tpu.memory_space<hbm>>
    %dma_start3A_222 = arith.constant 24576 : i32
    %dma_start3A_223 = tpu.memref_slice %arg8[%dma_start3A_222] : memref<32768xf32, #tpu.memory_space<vmem>> -> memref<8192xf32, #tpu.memory_space<vmem>>
    tpu.enqueue_dma source(%dma_start3A_223 : memref<8192xf32, #tpu.memory_space<vmem>>) target(%dma_start3A_221 : memref<8192xf32, #tpu.memory_space<hbm>>) target_semaphore(%dma_start3A_220 : memref<!tpu.dma_semaphore, #tpu.memory_space<semaphore_mem>>)
    %dma_wait3A_224 = arith.constant 0 : i32
    %dma_wait3A_225 = arith.constant 0 : i32
    %dma_wait3A_226 = tpu.memref_slice %arg8[%dma_wait3A_225] : memref<32768xf32, #tpu.memory_space<vmem>> -> memref<8192xf32, #tpu.memory_space<vmem>>
    %dma_wait3A_227 = tpu.memref_slice %arg5[%add3A_112] : memref<1048576xf32, #tpu.memory_space<hbm>> -> memref<8192xf32, #tpu.memory_space<hbm>>
    %dma_wait3A_228 = tpu.memref_slice %arg11[%dma_wait3A_224] : memref<4x!tpu.dma_semaphore, #tpu.memory_space<semaphore_mem>> -> memref<1x!tpu.dma_semaphore, #tpu.memory_space<semaphore_mem>>
    %dma_wait3A_229 = tpu.memref_squeeze %dma_wait3A_228 : memref<1x!tpu.dma_semaphore, #tpu.memory_space<semaphore_mem>> -> memref<!tpu.dma_semaphore, #tpu.memory_space<semaphore_mem>>
    %dma_wait3A_230 = tpu.memref_slice %arg5[%add3A_112] : memref<1048576xf32, #tpu.memory_space<hbm>> -> memref<8192xf32, #tpu.memory_space<hbm>>
    %dma_wait3A_231 = arith.constant 0 : i32
    %dma_wait3A_232 = tpu.memref_slice %arg8[%dma_wait3A_231] : memref<32768xf32, #tpu.memory_space<vmem>> -> memref<8192xf32, #tpu.memory_space<vmem>>
    tpu.wait_dma2 semaphore(%dma_wait3A_229 : memref<!tpu.dma_semaphore, #tpu.memory_space<semaphore_mem>>) src(%dma_wait3A_232 : memref<8192xf32, #tpu.memory_space<vmem>>) dst(%dma_wait3A_230 : memref<8192xf32, #tpu.memory_space<hbm>>)
    %dma_wait3A_233 = arith.constant 1 : i32
    %dma_wait3A_234 = arith.constant 8192 : i32
    %dma_wait3A_235 = tpu.memref_slice %arg8[%dma_wait3A_234] : memref<32768xf32, #tpu.memory_space<vmem>> -> memref<8192xf32, #tpu.memory_space<vmem>>
    %dma_wait3A_236 = tpu.memref_slice %arg5[%add3A_146] : memref<1048576xf32, #tpu.memory_space<hbm>> -> memref<8192xf32, #tpu.memory_space<hbm>>
    %dma_wait3A_237 = tpu.memref_slice %arg11[%dma_wait3A_233] : memref<4x!tpu.dma_semaphore, #tpu.memory_space<semaphore_mem>> -> memref<1x!tpu.dma_semaphore, #tpu.memory_space<semaphore_mem>>
    %dma_wait3A_238 = tpu.memref_squeeze %dma_wait3A_237 : memref<1x!tpu.dma_semaphore, #tpu.memory_space<semaphore_mem>> -> memref<!tpu.dma_semaphore, #tpu.memory_space<semaphore_mem>>
    %dma_wait3A_239 = tpu.memref_slice %arg5[%add3A_146] : memref<1048576xf32, #tpu.memory_space<hbm>> -> memref<8192xf32, #tpu.memory_space<hbm>>
    %dma_wait3A_240 = arith.constant 8192 : i32
    %dma_wait3A_241 = tpu.memref_slice %arg8[%dma_wait3A_240] : memref<32768xf32, #tpu.memory_space<vmem>> -> memref<8192xf32, #tpu.memory_space<vmem>>
    tpu.wait_dma2 semaphore(%dma_wait3A_238 : memref<!tpu.dma_semaphore, #tpu.memory_space<semaphore_mem>>) src(%dma_wait3A_241 : memref<8192xf32, #tpu.memory_space<vmem>>) dst(%dma_wait3A_239 : memref<8192xf32, #tpu.memory_space<hbm>>)
    %dma_wait3A_242 = arith.constant 2 : i32
    %dma_wait3A_243 = arith.constant 16384 : i32
    %dma_wait3A_244 = tpu.memref_slice %arg8[%dma_wait3A_243] : memref<32768xf32, #tpu.memory_space<vmem>> -> memref<8192xf32, #tpu.memory_space<vmem>>
    %dma_wait3A_245 = tpu.memref_slice %arg5[%add3A_180] : memref<1048576xf32, #tpu.memory_space<hbm>> -> memref<8192xf32, #tpu.memory_space<hbm>>
    %dma_wait3A_246 = tpu.memref_slice %arg11[%dma_wait3A_242] : memref<4x!tpu.dma_semaphore, #tpu.memory_space<semaphore_mem>> -> memref<1x!tpu.dma_semaphore, #tpu.memory_space<semaphore_mem>>
    %dma_wait3A_247 = tpu.memref_squeeze %dma_wait3A_246 : memref<1x!tpu.dma_semaphore, #tpu.memory_space<semaphore_mem>> -> memref<!tpu.dma_semaphore, #tpu.memory_space<semaphore_mem>>
    %dma_wait3A_248 = tpu.memref_slice %arg5[%add3A_180] : memref<1048576xf32, #tpu.memory_space<hbm>> -> memref<8192xf32, #tpu.memory_space<hbm>>
    %dma_wait3A_249 = arith.constant 16384 : i32
    %dma_wait3A_250 = tpu.memref_slice %arg8[%dma_wait3A_249] : memref<32768xf32, #tpu.memory_space<vmem>> -> memref<8192xf32, #tpu.memory_space<vmem>>
    tpu.wait_dma2 semaphore(%dma_wait3A_247 : memref<!tpu.dma_semaphore, #tpu.memory_space<semaphore_mem>>) src(%dma_wait3A_250 : memref<8192xf32, #tpu.memory_space<vmem>>) dst(%dma_wait3A_248 : memref<8192xf32, #tpu.memory_space<hbm>>)
    %dma_wait3A_251 = arith.constant 3 : i32
    %dma_wait3A_252 = arith.constant 24576 : i32
    %dma_wait3A_253 = tpu.memref_slice %arg8[%dma_wait3A_252] : memref<32768xf32, #tpu.memory_space<vmem>> -> memref<8192xf32, #tpu.memory_space<vmem>>
    %dma_wait3A_254 = tpu.memref_slice %arg5[%add3A_214] : memref<1048576xf32, #tpu.memory_space<hbm>> -> memref<8192xf32, #tpu.memory_space<hbm>>
    %dma_wait3A_255 = tpu.memref_slice %arg11[%dma_wait3A_251] : memref<4x!tpu.dma_semaphore, #tpu.memory_space<semaphore_mem>> -> memref<1x!tpu.dma_semaphore, #tpu.memory_space<semaphore_mem>>
    %dma_wait3A_256 = tpu.memref_squeeze %dma_wait3A_255 : memref<1x!tpu.dma_semaphore, #tpu.memory_space<semaphore_mem>> -> memref<!tpu.dma_semaphore, #tpu.memory_space<semaphore_mem>>
    %dma_wait3A_257 = tpu.memref_slice %arg5[%add3A_214] : memref<1048576xf32, #tpu.memory_space<hbm>> -> memref<8192xf32, #tpu.memory_space<hbm>>
    %dma_wait3A_258 = arith.constant 24576 : i32
    %dma_wait3A_259 = tpu.memref_slice %arg8[%dma_wait3A_258] : memref<32768xf32, #tpu.memory_space<vmem>> -> memref<8192xf32, #tpu.memory_space<vmem>>
    tpu.wait_dma2 semaphore(%dma_wait3A_256 : memref<!tpu.dma_semaphore, #tpu.memory_space<semaphore_mem>>) src(%dma_wait3A_259 : memref<8192xf32, #tpu.memory_space<vmem>>) dst(%dma_wait3A_257 : memref<8192xf32, #tpu.memory_space<hbm>>)
    return
  }
}

</mosaic_0001>

<sc_bundles>
// kernel: kernel.3.cloned.1.call-start
scs
__scs_entry_jumppad:
0x0: {  	(pc) =	sbr.rel $0x88, $3  }
0x1: {  	(tag) =	ssettag $0x0;
	lr =	simm.s32 $0x1  }
0x2: {  	[smem:$0x3F9E] =	sst lr;
	_ =	strace $0xD0000000  }
0x3: {  	_ = 	snop  }
0x4: {  	_ = 	snop  }
0x5: {  	_ = 	snop  }
0x6: {  	_ = 	snop  }
0x7: {  	_ = 	snop  }
__scs_overlays_trampoline_lowered:
0x8: {  	[smem:$0x3FAD] =	sst s0  }
0x9: {  	[smem:$0x3FAE] =	sst s1  }
0xa: {  	[smem:$0x3FAF] =	sst s2  }
0xb: {  	[smem:$0x3FB0] =	sst s3  }
0xc: {  	[smem:$0x3FB1] =	sst s4  }
0xd: {  	[smem:$0x3FB2] =	sst s5  }
0xe: {  	[smem:$0x3FB3] =	sst s6  }
0xf: {  	[smem:$0x3FB4] =	sst s7  }
0x10: {  	[smem:$0x3FB5] =	sst s8  }
0x11: {  	[smem:$0x3FB6] =	sst s9;
	s0 =	simm.s32 @!p0 $0x0  }
0x12: {  	s1 =	sld [smem:$0x3F9C];
	s0 =	simm.s32 @p0 $0x1  }
0x13: {  	[smem:$0x3FB7] =	sst s0;
	s0 =	simm.s32 @!p1 $0x0  }
0x14: {  	s2 =	sld [smem:$0x3F9B];
	s0 =	simm.s32 @p1 $0x1  }
0x15: {  	[smem:$0x3FB8] =	sst s0;
	s0 =	simm.s32 @!p2 $0x0  }
0x16: {  	s3 =	sld [smem:$0x3FDB];
	s0 =	simm.s32 @p2 $0x1  }
0x17: {  	s4 =	simm.s32 $0x1BF5;
	[smem:$0x3FBA] =	sst s0  }
0x18: {  	s0 =	sld [smem:$0x3F9D];
	_ =	swait.ge [sflag:s4], $0x0  }
0x19: {  	s7 =	sld [smem:$0x3F9E]  }
0x1a: {  	s8 =	sadd.s32 $0xFFFFE003, lr  }
0x1b: {  	s9 =	sadd.s32 $0xFFFFFEF7, lr;
	s5 =	simm.s32 $0xFFFFFFFF;
	p2 =	slt.u32 s8, $0xFFFFF086  }
0x1c: {  	p1 =	slt.u32 s9, $0xF7A;
	s5 =	simm.s32 @!p2 $0x0  }
0x1d: {  	s5 =	simm.s32 @p1 $0x1;
	p0 =	seq.s32 s7, s2  }
0x1e: {  	s7 =	smul.u32 @!p0 $0xF7A, s2;
	p2 =	seq.s32 @!p0 s5, $0x0  }
0x1f: {  	s9 =	smul.u32 $0xF7A, s1;
	s8 =	simm.s32 @!p0 $0x1BF5;
	p2 =	por !p2, p0  }
0x20: {  	[sflag:s8] =	ssyncset.s32 @!p0 $0xFFFFF086;
	s6 =	sadd.s32 @!p0 s3, s7;
	s7 =	simm.s32 @!p0 $0x108  }
0x21: {  	s3 =	sadd.s32 s3, s9;
	s6 =	sadd.s32 @!p0 $0x88, s6;
	s7 =	simm.s32 @p2 $0x1082  }
0x22: {  	[simem:s7], [sflag:s8] =	dma.local @!p0 [hbm:s6], $0xF7A  }
0x23: {  	s9 =	sor.u32 $0xD0000000, s2;
	s6 =	simm.s32 $0x108;
	_ =	swait.ge @!p0 [sflag:s8], $0x0  }
0x24: {  	s3 =	sadd.s32 $0x88, s3;
	s6 =	simm.s32 @!p1 $0x1082;
	[sflag:s4] =	ssyncset.s32 $0xFFFFF086  }
0x25: {  	[simem:s6], [sflag:s4] =	dma.local [hbm:s3], $0xF7A  }
0x26: {  	[smem:$0x3F9E] =	sst s1;
	(tag) =	ssettag s2;
	_ =	strace s9  }
0x27: {  	s1 =	sld [smem:$0x3FAE]  }
0x28: {  	s2 =	sld [smem:$0x3FAF]  }
0x29: {  	s4 =	sld [smem:$0x3FB1]  }
0x2a: {  	p0 =	seq.s32 s5, $0x0;
	s5 =	sld [smem:$0x3FB2]  }
0x2b: {  	s6 =	sld [smem:$0x3FB3]  }
0x2c: {  	s7 =	sld [smem:$0x3FB4]  }
0x2d: {  	s3 =	simm.s32 $0x108;
	s8 =	sld [smem:$0x3FB5]  }
0x2e: {  	s3 =	simm.s32 @!p0 $0x1082;
	s9 =	sld [smem:$0x3FB6]  }
0x2f: {  	lr =	sadd.s32 s0, s3;
	s0 =	sld [smem:$0x3FAD]  }
0x30: {  	s3 =	sld [smem:$0x3FB0]  }
0x31: {  	[smem:$0x3FB9] =	sst s10  }
0x32: {  	s10 =	sld [smem:$0x3FB7];
	_ =	sdelay $0x3  }
0x33: {  	p0 =	seq.s32 s10, $0x1;
	s10 =	sld [smem:$0x3FB9];
	_ =	sdelay $0x3  }
0x34: {  	[smem:$0x3FB9] =	sst s10  }
0x35: {  	s10 =	sld [smem:$0x3FB8];
	_ =	sdelay $0x3  }
0x36: {  	p1 =	seq.s32 s10, $0x1;
	s10 =	sld [smem:$0x3FB9];
	_ =	sdelay $0x3  }
0x37: {  	[smem:$0x3FB9] =	sst s10  }
0x38: {  	s10 =	sld [smem:$0x3FBA]  }
0x39: {  	_ = 	snop;
	(pc) =	sbr.ind lr, $3  }
0x3a: {  	_ = 	snop  }
0x3b: {  	_ = 	snop  }
0x3c: {  	p2 =	seq.s32 s10, $0x1;
	s10 =	sld [smem:$0x3FB9]  }
0x3d: {  	_ =	shalt  }
0x3e: {  	_ =	shalt  }
0x3f: {  	_ =	shalt  }
0x40: {  	_ =	shalt  }
0x41: {  	_ =	shalt  }
0x42: {  	_ =	shalt  }
0x43: {  	_ =	shalt  }
0x44: {  	_ =	shalt  }
0x45: {  	_ =	shalt  }
0x46: {  	_ =	shalt  }
0x47: {  	_ =	shalt  }
0x48: {  	_ =	shalt  }
0x49: {  	_ =	shalt  }
0x4a: {  	_ =	shalt  }
0x4b: {  	_ =	shalt  }
0x4c: {  	_ =	shalt  }
0x4d: {  	_ =	shalt  }
0x4e: {  	_ =	shalt  }
0x4f: {  	_ =	shalt  }
0x50: {  	_ =	shalt  }
0x51: {  	_ =	shalt  }
0x52: {  	_ =	shalt  }
0x53: {  	_ =	shalt  }
0x54: {  	_ =	shalt  }
0x55: {  	_ =	shalt  }
0x56: {  	_ =	shalt  }
0x57: {  	_ =	shalt  }
0x58: {  	_ =	shalt  }
0x59: {  	_ =	shalt  }
0x5a: {  	_ =	shalt  }
0x5b: {  	_ =	shalt  }
0x5c: {  	_ =	shalt  }
0x5d: {  	_ =	shalt  }
0x5e: {  	_ =	shalt  }
0x5f: {  	_ =	shalt  }
0x60: {  	_ =	shalt  }
0x61: {  	_ =	shalt  }
0x62: {  	_ =	shalt  }
0x63: {  	_ =	shalt  }
0x64: {  	_ =	shalt  }
0x65: {  	_ =	shalt  }
0x66: {  	_ =	shalt  }
0x67: {  	_ =	shalt  }
0x68: {  	_ =	shalt  }
0x69: {  	_ =	shalt  }
0x6a: {  	_ =	shalt  }
0x6b: {  	_ =	shalt  }
0x6c: {  	_ =	shalt  }
0x6d: {  	_ =	shalt  }
0x6e: {  	_ =	shalt  }
0x6f: {  	_ =	shalt  }
0x70: {  	_ =	shalt  }
0x71: {  	_ =	shalt  }
0x72: {  	_ =	shalt  }
0x73: {  	_ =	shalt  }
0x74: {  	_ =	shalt  }
0x75: {  	_ =	shalt  }
0x76: {  	_ =	shalt  }
0x77: {  	_ =	shalt  }
0x78: {  	_ =	shalt  }
0x79: {  	_ =	shalt  }
0x7a: {  	_ =	shalt  }
0x7b: {  	_ =	shalt  }
0x7c: {  	_ =	shalt  }
0x7d: {  	_ =	shalt  }
0x7e: {  	_ =	shalt  }
0x7f: {  	_ =	shalt  }
0x80: {  	_ =	shalt  }
0x81: {  	_ =	shalt  }
0x82: {  	_ =	shalt  }
0x83: {  	_ =	shalt  }
0x84: {  	_ =	shalt  }
0x85: {  	_ =	shalt  }
0x86: {  	_ =	shalt  }
0x87: {  	_ =	shalt  }
.Lfunc_end0:
.L_simem_size_0:
called_computation_lowered:
.L_overlay_start_0:
0x88: {  	s2 =	sld [smem:$0x3FD9]  }
0x89: {  	s3 =	sld [smem:$0x3FFE];
	_ =	sdelay $0x1  }
0x8a: {  	s1 =	srdreg.scid  }
0x8b: {  	s0 =	sand.u32 $0x1, s1  }
0x8c: {  	s18 =	sshll.u32 s0, $0xA;
	s2 =	sadd.s32 s3, s2  }
0x8d: {  	s2 =	sadd.s32 s2, s18  }
0x8e: {  	[smem:$0x3FC5] =	sst s2  }
0x8f: {  	_ = 	snop  }
0x90: {  	s2 =	sld [smem:$0x3FC9]  }
0x91: {  	s19 =	sld [smem:$0x3FC8]  }
0x92: {  	s4 =	sld [smem:$0x3FC7]  }
0x93: {  	s5 =	sld [smem:$0x3FD0];
	(tm) =	ssettm $0x1  }
0x94: {  	s6 =	sld [smem:$0x3FFB];
	_ =	sdelay $0x3  }
0x95: {  	_ =	strace s6  }
0x96: {  	s6 =	sld [smem:$0x3FFC];
	_ =	sdelay $0x3  }
0x97: {  	_ =	strace s6  }
0x98: {  	s6 =	sld [smem:$0x3FFD];
	_ =	sdelay $0x3  }
0x99: {  	_ =	strace s6  }
0x9a: {  	_ =	strace $0x8FFFFFFF  }
0x9b: {  	s20 =	sld [smem:$0x3FDB];
	_ =	sdelay $0x1  }
0x9c: {  	s7 =	simm.s32 $_scs_section_size  }
0x9d: {  	s8 =	simm.s32 $_size__tile_overlayer_lowered;
	s9 =	simm.s32 $_tile_overlayer_lowered  }
0x9e: {  	s23 =	simm.s32 $0x1BFF;
	s22 =	sshll.u32 s9, $0x1;
	s6 =	sadd.s32 s7, s20  }
0x9f: {  	s10 =	simm.s32 $0x0;
	s21 =	sshll.u32 s8, $0x1;
	s8 =	sadd.s32 s22, s6  }
0xa0: {  	[timem:s10], [sflag:s23] =	dma.local [hbm:s8], s21  }
0xa1: {  	_ =	swait.ge [sflag:s23], s21  }
0xa2: {  	s7 =	ssub.s32 $0x0, s21;
	[sflag:s23] =	ssyncset.done $0x0  }
0xa3: {  	[sflag:s23] =	ssyncadd.s32 s7;
	_ =	sdelay $0x1  }
0xa4: {  	s24 =	simm.s32 $0x1B8B  }
0xa5: {  	_ =	swait.ge [sflag:s24], $0x1  }
0xa6: {  	[sflag:s24] =	ssyncset.done $0x0  }
0xa7: {  	s25 =	simm.s32 $0x1B8E;
	[sflag:s24] =	ssyncadd.s32 $0xFFFFFFFF  }
0xa8: {  	s26 =	simm.s32 $execute0_lowered;
	[smem:$0x3FD2] =	sst s25  }
0xa9: {  	s7 =	sshll.u32 s26, $0x1;
	_ =	strace $0x80000046;
	[dreg:$0x1] =	wrdreg $0xFFFFFFFF  }
0xaa: {  	s28 =	simm.s32 $_size_execute0_lowered;
	s6 =	sadd.s32 s6, s7;
	[dreg:$0x0] =	wrdreg $0x0  }
0xab: {  	s7 =	sshll.u32 s28, $0x1;
	[dreg:$0x2] =	wrdreg s6  }
0xac: {  	[dreg:$0x3] =	wrdreg s7  }
0xad: {  	[dreg:$0x4] =	wrdreg $0xC0  }
0xae: {  	_ =	task [dreg:s10], $0x5FFFF  }
0xaf: {  	[dreg:$0x1] =	wrdreg $0xFFFFFFFF  }
0xb0: {  	[dreg:$0x0] =	wrdreg $0x60  }
0xb1: {  	[dreg:$0x2] =	wrdreg s2  }
0xb2: {  	[dreg:$0x3] =	wrdreg s19  }
0xb3: {  	[dreg:$0x4] =	wrdreg s4  }
0xb4: {  	[dreg:$0x5] =	wrdreg s5  }
0xb5: {  	[dreg:$0x6] =	wrdreg $0x9  }
0xb6: {  	_ =	task.clear_ibuf [dreg:s10], $0x7FFFF;
	_ =	strace $0x90000046  }
0xb7: {  	s29 =	simm.s32 $0x9;
	_ =	strace $0x80000048  }
0xb8: {  	_ =	swait.ge [sflag:s29], $0x1  }
0xb9: {  	[sflag:s29] =	ssyncadd.s32 $0xFFFFFFFF  }
0xba: {  	_ =	strace $0x90000048  }
0xbb: {  	_ =	sfence  }
0xbc: {  	s30 =	sld [smem:$0x0];
	_ =	sdelay $0x2  }
0xbd: {  	s31 =	sshll.u32 s1, $0xD;
	s1 =	sshrl.u32 s1, $0x2  }
0xbe: {  	s3 =	sand.u32 $0x4000, s31;
	s1 =	sadd.s32 s1, s30  }
0xbf: {  	s0 =	sor.u32 s3, s0;
	s1 =	sshll.u32 s1, $0x11  }
0xc0: {  	s0 =	sor.u32 s1, s0  }
0xc1: {  	s0 =	sadd.s32 $0x8F2B, s0  }
0xc2: {  	[sflag:s0] =	ssyncadd.remote.s32 $0x1  }
0xc3: {  	_ =	sfence.sel $0xFFFF  }
0xc4: {  	[dreg:$0x0] =	wrdreg $0xFFFFFFFF;
	(pc) =	sbr.abs _section_cstart, $3  }
0xc5: {  	[dreg:$0x1] =	wrdreg $0xFFFFFFFF  }
0xc6: {  	_ =	task.clear_ibuf [dreg:s10], $0x2FFFF;
	_ =	strace $0x9FFFFFFF  }
0xc7: {  	(tm) =	ssettm $0x7FFFFFFF  }
tec
execute0_lowered:
.L_overlay_start_1:
0x0: {  	(tag) =	ssettag $0x1  }
0x1: {  	s0 =	rddreg [dreg:$0x0]  }
0x2: {  	s1 =	rddreg [dreg:$0x1]  }
0x3: {  	s2 =	rddreg [dreg:$0x3];
	s4 =	srdreg.scid  }
0x4: {  	s3 =	simm.s32 $0x0;
	s7 =	stileid.u32;
	s17 =	simm.s32 $0x18000  }
0x5: {  	s28 =	simm.s32 $0x2;
	s30 =	simm.s32 $0x3;
	s31 =	simm.s32 $0x4  }
0x6: {  	s19 =	simm.s32 $0x7;
	s20 =	simm.s32 $0x8;
	s22 =	simm.s32 $0x9  }
0x7: {  	s29 =	simm.s32 $0xC;
	s4 =	sand.u32 $0x1, s4;
	[smem:$0x7FF] =	sst s3  }
0x8: {  	s7 =	sshll.u32 s7, $0xD;
	s5 =	ssub.s32 $0x2, s4;
	s4 =	sshll.u32 s4, $0xC  }
0x9: {  	_ =	strace $0x80000047;
	s6 =	sshrl.u32 s5, $0x1;
	s4 =	sor.u32 s4, s7  }
0xa: {  	s5 =	ssub.s32 s5, s6;
	s23 =	sadd.s32 s0, s4;
	s24 =	sadd.s32 s1, s4  }
0xb: {  	s25 =	sor.u32 $0x400, s4;
	s14 =	sor.u32 $0x800, s4;
	[dreg:$0x5] =	wrdreg s23  }
0xc: {  	s15 =	sor.u32 $0xC00, s4;
	s12 =	sadd.s32 s2, s4;
	[dreg:$0x6] =	wrdreg s24  }
0xd: {  	s26 =	sadd.s32 s0, s25;
	s7 =	sadd.s32 s1, s25;
	s8 =	sadd.s32 s0, s14  }
0xe: {  	s9 =	sadd.s32 s1, s14;
	s10 =	sadd.s32 s0, s15;
	s11 =	sadd.s32 s1, s15  }
0xf: {  	s13 =	sadd.s32 s2, s25;
	s14 =	sadd.s32 s2, s14;
	s15 =	sadd.s32 s2, s15  }
0x10: {  	s16 =	smax.u32 s5, $0x1;
	s25 =	simm.s32 $0xD;
	s2 =	simm.s32 $0x5  }
0x11: {  	s1 =	simm.s32 $0x6;
	s23 =	simm.s32 $0xA;
	s24 =	simm.s32 $0xB  }
0x12: {  	s0 =	simm.s32 $0x0;
	[dreg:$0x7] =	wrdreg s26;
	s26 =	simm.s32 $0x1  }
.LBB2_1:
0x13: {  	s4 =	rddreg [dreg:$0x2]  }
0x14: {  	[tilespmem:s17], [sflag:$0xD] =	stream.linear.gather [hbm4b:s4+s3], $0x80, $0x38;
	[tilespmem:$0x18080] =	vst v63  }
0x15: {  	s5 =	rddreg [dreg:$0x5]  }
0x16: {  	[tilespmem:s3], [sflag:$0x1] =	stream.linear.gather [hbm4b:s5+s3], $0x2000, $0x38;
	[tilespmem:$0x18080] =	vst v63  }
0x17: {  	s6 =	rddreg [dreg:$0x6];
	s5 =	simm.s32 $0x8000  }
0x18: {  	[tilespmem:s5], [sflag:$0x2] =	stream.linear.gather [hbm4b:s6+s3], $0x2000, $0x38;
	[tilespmem:$0x18080] =	vst v63  }
0x19: {  	s18 =	rddreg [dreg:$0x7];
	s21 =	simm.s32 $0x2000  }
0x1a: {  	[tilespmem:s21], [sflag:$0x3] =	stream.linear.gather [hbm4b:s18+s3], $0x2000, $0x38;
	[tilespmem:$0x18080] =	vst v63  }
0x1b: {  	s5 =	simm.s32 $0xA000  }
0x1c: {  	[tilespmem:s5], [sflag:$0x4] =	stream.linear.gather [hbm4b:s7+s3], $0x2000, $0x38;
	[tilespmem:$0x18080] =	vst v63  }
0x1d: {  	s6 =	simm.s32 $0x4000  }
0x1e: {  	[tilespmem:s6], [sflag:$0x5] =	stream.linear.gather [hbm4b:s8+s3], $0x2000, $0x38;
	[tilespmem:$0x18080] =	vst v63  }
0x1f: {  	s18 =	simm.s32 $0xC000  }
0x20: {  	[tilespmem:s18], [sflag:$0x6] =	stream.linear.gather [hbm4b:s9+s3], $0x2000, $0x38;
	[tilespmem:$0x18080] =	vst v63  }
0x21: {  	s21 =	simm.s32 $0x6000  }
0x22: {  	[tilespmem:s21], [sflag:$0x7] =	stream.linear.gather [hbm4b:s10+s3], $0x2000, $0x38;
	[tilespmem:$0x18080] =	vst v63  }
0x23: {  	s5 =	simm.s32 $0xE000  }
0x24: {  	[tilespmem:s5], [sflag:$0x8] =	stream.linear.gather [hbm4b:s11+s3], $0x2000, $0x38;
	[tilespmem:$0x18080] =	vst v63  }
0x25: {  	_ =	swait.ge [sflag:s25], $0x80  }
0x26: {  	[sflag:s25] =	ssyncset.done $0x0  }
0x27: {  	[sflag:s25] =	ssyncadd.s32 $0xFFFFFF80  }
0x28: {  	_ =	swait.ge [sflag:s26], $0x2000  }
0x29: {  	[sflag:s26] =	ssyncset.done $0x0  }
0x2a: {  	[sflag:s26] =	ssyncadd.s32 $0xFFFFE000  }
0x2b: {  	_ =	swait.ge [sflag:s28], $0x2000  }
0x2c: {  	[sflag:s28] =	ssyncset.done $0x0  }
0x2d: {  	s6 =	simm.s32 $0x40;
	[sflag:s28] =	ssyncadd.s32 $0xFFFFE000  }
0x2e: {  	v0 =	vld [tilespmem:s6+$0xFFFFFFD0]  }
0x2f: {  	v2 =	vld [tilespmem:s6+$0xFFFFFFE0]  }
0x30: {  	v4 =	vld [tilespmem:s6+$0x0]  }
0x31: {  	v5 =	vld [tilespmem:s6+$0x30]  }
0x32: {  	s18 =	simm.s32 $0x8040;
	v3 =	vld [tilespmem:s6+$0x10]  }
0x33: {  	v1 =	vld [tilespmem:s18+$0xFFFFFFD0]  }
0x34: {  	v7 =	vld [tilespmem:s6+$0xFFFFFFF0];
	v6 =	vmax.f32 v0, $0.0e+00  }
0x35: {  	v8 =	vld [tilespmem:s6+$0xFFFFFFC0];
	v10 =	vmax.f32 v2, $0.0e+00;
	v13 =	vmax.f32 v4, $0.0e+00;
	v6 =	vmin.f32 v6, $1.270000000e+02  }
0x36: {  	v9 =	vld [tilespmem:s6+$0x20];
	v14 =	vmax.f32 v5, $0.0e+00;
	v13 =	vmin.f32 v13, $1.270000000e+02;
	v6 =	vadd.f32 $1.258291200e+07, v6  }
0x37: {  	v12 =	vld [tilespmem:s18+$0x20];
	v11 =	vmax.f32 v3, $0.0e+00;
	v14 =	vmin.f32 v14, $1.270000000e+02;
	v13 =	vadd.f32 $1.258291200e+07, v13  }
0x38: {  	v17 =	vld [tilespmem:s18+$0xFFFFFFF0];
	v11 =	vmin.f32 v11, $1.270000000e+02;
	v14 =	vadd.f32 $1.258291200e+07, v14;
	v6 =	vand.u32 $0x3FFFFF, v6  }
0x39: {  	v18 =	vld [tilespmem:s18+$0x10];
	v10 =	vmin.f32 v10, $1.270000000e+02;
	v11 =	vadd.f32 $1.258291200e+07, v11;
	v13 =	vand.u32 $0x3FFFFF, v13  }
0x3a: {  	v19 =	vld [tilespmem:s18+$0x30];
	v10 =	vadd.f32 $1.258291200e+07, v10;
	v14 =	vand.u32 $0x3FFFFF, v14  }
0x3b: {  	v20 =	vld [tilespmem:s18+$0x0];
	v11 =	vand.u32 $0x3FFFFF, v11  }
0x3c: {  	v21 =	vld [tilespmem:s18+$0xFFFFFFE0];
	v22 =	vmax.f32 v8, $0.0e+00;
	v10 =	vand.u32 $0x3FFFFF, v10  }
0x3d: {  	v22 =	vmin.f32 v22, $1.270000000e+02;
	v6 =	vld.idx.msk [tilespmem:v6+s17+$0x0], $0xffff  }
0x3e: {  	v0 =	vadd.f32 v1, v0;
	v1 =	vadd.f32 $1.258291200e+07, v22;
	v13 =	vld.idx.msk [tilespmem:v13+s17+$0x0], $0xffff  }
0x3f: {  	v16 =	vmax.f32 v7, $0.0e+00;
	v14 =	vld.idx.msk [tilespmem:v14+s17+$0x0], $0xffff  }
0x40: {  	v4 =	vadd.f32 v20, v4;
	v16 =	vmin.f32 v16, $1.270000000e+02;
	v22 =	vand.u32 $0x3FFFFF, v1;
	v11 =	vld.idx.msk [tilespmem:v11+s17+$0x0], $0xffff  }
0x41: {  	v2 =	vadd.f32 v21, v2;
	v16 =	vadd.f32 $1.258291200e+07, v16;
	v10 =	vld.idx.msk [tilespmem:v10+s17+$0x0], $0xffff  }
0x42: {  	s21 =	simm.s32 $0xC0;
	v15 =	vld [tilespmem:s18+$0xFFFFFFC0];
	v5 =	vadd.f32 v19, v5;
	v3 =	vadd.f32 v18, v3  }
0x43: {  	v18 =	vld [tilespmem:s21+$0xFFFFFFD0];
	v21 =	vadd.f32 v12, v9;
	v7 =	vadd.f32 v17, v7;
	v16 =	vand.u32 $0x3FFFFF, v16  }
0x44: {  	v19 =	vmax.f32 v9, $0.0e+00;
	v1 =	vld [tilespmem:s21+$0xFFFFFFE0];
	v0 =	vadd.f32 v6, v0;
	v5 =	vadd.f32 v14, v5  }
0x45: {  	v4 =	vadd.f32 v13, v4;
	v13 =	vmin.f32 v19, $1.270000000e+02;
	v14 =	vld.idx.msk [tilespmem:v22+s17+$0x0], $0xffff;
	v11 =	vadd.f32 v11, v3  }
0x46: {  	v12 =	vadd.f32 v10, v2;
	v2 =	vld [tilespmem:s21+$0xFFFFFFF0];
	v20 =	vmul.f32 $5.776226520e-02, v0;
	v5 =	vmul.f32 $5.776226520e-02, v5  }
0x47: {  	v10 =	vmul.f32 $5.776226520e-02, v11;
	v11 =	vadd.f32 $1.258291200e+07, v13;
	v13 =	vadd.f32 v15, v8;
	v8 =	vld [tilespmem:s21+$0x0]  }
0x48: {  	s18 =	simm.s32 $0x80C0;
	v6 =	vld.idx.msk [tilespmem:v16+s17+$0x0], $0xffff;
	v28 =	vmul.f32 $5.776226520e-02, v12;
	v19 =	vadd.f32 $2.101178410e+00, v20;
	v20 =	vmul.f32 $5.776226520e-02, v4  }
0x49: {  	v16 =	vld [tilespmem:s18+$0xFFFFFFD0];
	v15 =	vadd.f32 $2.101178410e+00, v5;
	v5 =	vmax.f32 v18, $0.0e+00;
	v11 =	vand.u32 $0x3FFFFF, v11  }
0x4a: {  	v0 =	vld [tilespmem:s21+$0x10];
	v24 =	vadd.f32 $2.101178410e+00, v10;
	v5 =	vmin.f32 v5, $1.270000000e+02;
	v13 =	vadd.f32 v14, v13  }
0x4b: {  	v3 =	vld [tilespmem:s21+$0x30];
	v9 =	vmul.f32 $1.442695020e+00, v19;
	v17 =	vadd.f32 $2.101178410e+00, v20;
	v14 =	vadd.f32 $1.258291200e+07, v5  }
0x4c: {  	v20 =	vmax.f32 v2, $0.0e+00;
	v27 =	vmul.f32 $1.442695020e+00, v15;
	v10 =	vmax.f32 v8, $0.0e+00  }
0x4d: {  	v4 =	vld [tilespmem:s21+$0xFFFFFFC0];
	v13 =	vmul.f32 $5.776226520e-02, v13;
	v20 =	vmin.f32 v20, $1.270000000e+02;
	(erf) = vpow2.f32 v9  }
0x4e: {  	v12 =	vld [tilespmem:s18+$0x30];
	v9 =	vadd.f32 v16, v18;
	v16 =	vadd.f32 v6, v7;
	v6 =	vmax.f32 v1, $0.0e+00  }
0x4f: {  	v5 =	vld [tilespmem:s21+$0x20];
	v7 =	vmax.f32 v0, $0.0e+00;
	v14 =	vand.u32 $0x3FFFFF, v14;
	v20 =	vadd.f32 $1.258291200e+07, v20  }
0x50: {  	v17 =	vmul.f32 $1.442695020e+00, v17;
	v18 =	vmin.f32 v6, $1.270000000e+02;
	v6 =	vmax.f32 v3, $0.0e+00;
	v25 =	vld.idx.msk [tilespmem:v11+s17+$0x0], $0xffff  }
0x51: {  	v23 =	vmin.f32 v7, $1.270000000e+02;
	v7 =	vld [tilespmem:s18+$0xFFFFFFC0];
	v11 =	vmin.f32 v10, $1.270000000e+02;
	v18 =	vadd.f32 $1.258291200e+07, v18  }
0x52: {  	v19 =	vmax.f32 v4, $0.0e+00;
	v10 =	vld [tilespmem:s18+$0xFFFFFFF0];
	v22 =	vmin.f32 v6, $1.270000000e+02;
	v26 =	vadd.f32 $1.258291200e+07, v11  }
0x53: {  	v6 =	vld [tilespmem:s18+$0x20];
	v23 =	vadd.f32 $1.258291200e+07, v23;
	v29 =	vmul.f32 $5.776226520e-02, v16;
	v18 =	vand.u32 $0x3FFFFF, v18  }
0x54: {  	v11 =	vld [tilespmem:s18+$0x10];
	v19 =	vmin.f32 v19, $1.270000000e+02;
	v22 =	vadd.f32 $1.258291200e+07, v22;
	v26 =	vand.u32 $0x3FFFFF, v26  }
0x55: {  	(erf) = vpow2.f32 v17;
	v16 =	vld [tilespmem:s18+$0x0];
	v19 =	vadd.f32 $1.258291200e+07, v19;
	v62 =	vand.u32 $0x3FFFFF, v23  }
0x56: {  	(erf) = vpow2.f32 v27;
	v15 =	vld.idx.msk [tilespmem:v14+s17+$0x0], $0xffff;
	v30 =	vand.u32 $0x3FFFFF, v22;
	v22 =	vadd.f32 $2.101178410e+00, v28  }
0x57: {  	v14 =	vand.u32 $0x3FFFFF, v20;
	v20 =	vadd.f32 $2.101178410e+00, v13;
	v17 =	vadd.f32 v25, v21;
	v21 =	vld [tilespmem:s18+$0xFFFFFFE0]  }
0x58: {  	v25 =	vadd.f32 $2.101178410e+00, v29;
	v23 =	vmul.f32 $1.442695020e+00, v22;
	v22 =	vmul.f32 $1.442695020e+00, v24;
	v13 =	vld.idx.msk [tilespmem:v18+s17+$0x0], $0xffff  }
0x59: {  	v31 =	vmul.f32 $1.442695020e+00, v20;
	v24 =	vmul.f32 $5.776226520e-02, v17;
	v17 =	vld.idx.msk [tilespmem:v26+s17+$0x0], $0xffff  }
0x5a: {  	s21 =	simm.s32 $0x10040;
	v63 =	vmax.f32 v5, $0.0e+00;
	v20 =	vand.u32 $0x3FFFFF, v19;
	v25 =	vmul.f32 $1.442695020e+00, v25;
	v27 =	vpop (erf);
	v19 =	vld.idx.msk [tilespmem:v62+s17+$0x0], $0xffff  }
0x5b: {  	s4 =	simm.s32 $0x10040;
	s5 =	simm.s32 $0x80;
	s6 =	simm.s32 $0x140;
	(erf) = vpow2.f32 v31;
	v18 =	vld.idx.msk [tilespmem:v30+s17+$0x0], $0xffff;
	v26 =	vadd.f32 $2.101178410e+00, v24;
	[tilespmem:s21+$0xFFFFFFD0] =	vst v27;
	v24 =	vmin.f32 v63, $1.270000000e+02  }
.LBB2_2:
0x5c: {  	v9 =	vadd.f32 v15, v9  }
0x5d: {  	s5 =	sadd.s32 $0x80, s5;
	v15 =	vadd.f32 v21, v1;
	v14 =	vld.idx.msk [tilespmem:v14+s17+$0x0], $0xffff;
	s18 =	sadd.s32 $0x80, s18;
	s21 =	sadd.s32 $0x80, s21;
	(erf) = vpow2.f32 v23;
	v8 =	vadd.f32 v16, v8  }
0x5e: {  	v16 =	vmul.f32 $1.442695020e+00, v26;
	v3 =	vadd.f32 v12, v3;
	v1 =	vld [tilespmem:s6+$0xFFFFFFE0];
	p0 =	slt.u32 s5, $0x1F80;
	(erf) = vpow2.f32 v22  }
0x5f: {  	v11 =	vadd.f32 v11, v0;
	v21 =	vld [tilespmem:s18+$0xFFFFFFD0];
	v9 =	vmul.f32 $5.776226520e-02, v9;
	(erf) = vpow2.f32 v25;
	v12 =	vpop (erf)  }
0x60: {  	v23 =	vadd.f32 v7, v4;
	v8 =	vadd.f32 v17, v8;
	v0 =	vld [tilespmem:s6+$0x10];
	(erf) = vpow2.f32 v16  }
0x61: {  	v17 =	vadd.f32 v18, v3;
	v16 =	vld [tilespmem:s6+$0xFFFFFFD0];
	v22 =	vadd.f32 $2.101178410e+00, v9  }
0x62: {  	v18 =	vld.idx.msk [tilespmem:v20+s17+$0x0], $0xffff;
	v20 =	vmul.f32 $5.776226520e-02, v8;
	v8 =	vadd.f32 v19, v11;
	v19 =	vadd.f32 v6, v5  }
0x63: {  	v13 =	vadd.f32 v13, v15;
	v17 =	vmul.f32 $5.776226520e-02, v17;
	v3 =	vld [tilespmem:s6+$0x30];
	v5 =	vmul.f32 $1.442695020e+00, v22;
	[tilespmem:s4+$0x0] =	vst v12  }
0x64: {  	v22 =	vadd.f32 v10, v2;
	v11 =	vld [tilespmem:s6+$0xFFFFFFC0];
	v12 =	vmul.f32 $5.776226520e-02, v8;
	v8 =	vadd.f32 $1.258291200e+07, v24;
	v9 =	vpop (erf)  }
0x65: {  	v13 =	vmul.f32 $5.776226520e-02, v13;
	v15 =	vadd.f32 $2.101178410e+00, v17;
	v2 =	vld [tilespmem:s6+$0xFFFFFFF0];
	(erf) = vpow2.f32 v5;
	[tilespmem:s4+$0x30] =	vst v9;
	v6 =	vpop (erf)  }
0x66: {  	v7 =	vmax.f32 v16, $0.0e+00;
	v9 =	vadd.f32 v21, v16;
	v5 =	vld [tilespmem:s6+$0x20];
	v16 =	vand.u32 $0x3FFFFF, v8;
	[tilespmem:s4+$0xFFFFFFC0] =	vst v6;
	v6 =	vpop (erf)  }
0x67: {  	v17 =	vadd.f32 $2.101178410e+00, v20;
	v14 =	vadd.f32 v14, v22;
	v7 =	vmin.f32 v7, $1.270000000e+02;
	v8 =	vld [tilespmem:s6+$0x0];
	[tilespmem:s4+$0xFFFFFFE0] =	vst v6;
	v10 =	vpop (erf)  }
0x68: {  	v20 =	vmax.f32 v1, $0.0e+00;
	v21 =	vmax.f32 v0, $0.0e+00;
	v18 =	vadd.f32 v18, v23;
	v6 =	vld [tilespmem:s18+$0x20];
	[tilespmem:s4+$0x10] =	vst v10;
	v4 =	vpop (erf)  }
0x69: {  	v10 =	vadd.f32 $1.258291200e+07, v7;
	v7 =	vmin.f32 v20, $1.270000000e+02;
	v20 =	vmax.f32 v3, $0.0e+00;
	[tilespmem:s4+$0xFFFFFFF0] =	vst v4;
	v4 =	vpop (erf)  }
0x6a: {  	v22 =	vmax.f32 v11, $0.0e+00;
	v20 =	vmin.f32 v20, $1.270000000e+02;
	v23 =	vmax.f32 v2, $0.0e+00;
	[tilespmem:s4+$0x20] =	vst v4;
	v4 =	vmovc v11;
	s4 =	smov.u32 s21  }
0x6b: {  	v24 =	vadd.f32 $2.101178410e+00, v12;
	v21 =	vmin.f32 v21, $1.270000000e+02;
	v11 =	vadd.f32 $1.258291200e+07, v7;
	v25 =	vld.idx.msk [tilespmem:v16+s17+$0x0], $0xffff  }
0x6c: {  	v20 =	vadd.f32 $1.258291200e+07, v20;
	v16 =	vand.u32 $0x3FFFFF, v10;
	v7 =	vld [tilespmem:s18+$0xFFFFFFC0];
	v12 =	vmax.f32 v8, $0.0e+00  }
0x6d: {  	v18 =	vmul.f32 $5.776226520e-02, v18;
	v26 =	vand.u32 $0x3FFFFF, v11;
	v10 =	vld [tilespmem:s18+$0xFFFFFFF0];
	v11 =	vmin.f32 v12, $1.270000000e+02  }
0x6e: {  	v27 =	vmul.f32 $1.442695020e+00, v15;
	v12 =	vmin.f32 v23, $1.270000000e+02;
	v23 =	vadd.f32 $1.258291200e+07, v11;
	v11 =	vld [tilespmem:s18+$0x10];
	v15 =	vpop (erf)  }
0x6f: {  	v13 =	vadd.f32 $2.101178410e+00, v13;
	v17 =	vmul.f32 $1.442695020e+00, v17;
	v28 =	vadd.f32 $1.258291200e+07, v12;
	[tilespmem:s21+$0xFFFFFFD0] =	vst v15  }
0x70: {  	v30 =	vmul.f32 $5.776226520e-02, v14;
	v21 =	vadd.f32 $1.258291200e+07, v21;
	v29 =	vand.u32 $0x3FFFFF, v23;
	v12 =	vld [tilespmem:s18+$0x30]  }
0x71: {  	v18 =	vadd.f32 $2.101178410e+00, v18;
	v31 =	vand.u32 $0x3FFFFF, v20;
	v15 =	vld.idx.msk [tilespmem:v16+s17+$0x0], $0xffff;
	(erf) = vpow2.f32 v17  }
0x72: {  	v14 =	vand.u32 $0x3FFFFF, v28;
	v28 =	vand.u32 $0x3FFFFF, v21;
	v17 =	vadd.f32 v25, v19;
	v16 =	vld [tilespmem:s18+$0x0]  }
.Ltmp0:
0x73: {  	v23 =	vmul.f32 $1.442695020e+00, v13;
	v19 =	vmin.f32 v22, $1.270000000e+02;
	v21 =	vld [tilespmem:s18+$0xFFFFFFE0];
	(pc) =	sbr.rel @p0 .LBB2_2-.Ltmp0, $4  }
0x74: {  	v22 =	vmul.f32 $1.442695020e+00, v24;
	v19 =	vadd.f32 $1.258291200e+07, v19;
	v24 =	vmul.f32 $5.776226520e-02, v17;
	v13 =	vld.idx.msk [tilespmem:v26+s17+$0x0], $0xffff  }
0x75: {  	v30 =	vadd.f32 $2.101178410e+00, v30;
	v25 =	vmax.f32 v5, $0.0e+00;
	v17 =	vld.idx.msk [tilespmem:v29+s17+$0x0], $0xffff;
	v29 =	vmul.f32 $1.442695020e+00, v18  }
0x76: {  	v20 =	vand.u32 $0x3FFFFF, v19;
	v26 =	vadd.f32 $2.101178410e+00, v24;
	v18 =	vld.idx.msk [tilespmem:v31+s17+$0x0], $0xffff;
	(erf) = vpow2.f32 v27  }
0x77: {  	s6 =	sadd.s32 $0x80, s6;
	v24 =	vmin.f32 v25, $1.270000000e+02;
	v25 =	vmul.f32 $1.442695020e+00, v30;
	v19 =	vld.idx.msk [tilespmem:v28+s17+$0x0], $0xffff;
	(erf) = vpow2.f32 v29  }
0x78: {  	_ =	sdelay $0x1  }
0x79: {  	v24 =	vadd.f32 $1.258291200e+07, v24;
	v9 =	vadd.f32 v15, v9  }
0x7a: {  	(erf) = vpow2.f32 v23;
	v8 =	vadd.f32 v16, v8;
	v1 =	vadd.f32 v21, v1  }
0x7b: {  	v20 =	vld.idx.msk [tilespmem:v20+s17+$0x0], $0xffff;
	v3 =	vadd.f32 v12, v3;
	v0 =	vadd.f32 v11, v0;
	v16 =	vand.u32 $0x3FFFFF, v24  }
0x7c: {  	v15 =	vmul.f32 $1.442695020e+00, v26;
	v11 =	vld.idx.msk [tilespmem:v14+s17+$0x0], $0xffff;
	v4 =	vadd.f32 v7, v4;
	v5 =	vadd.f32 v6, v5  }
0x7d: {  	v2 =	vadd.f32 v10, v2;
	(erf) = vpow2.f32 v22;
	v9 =	vmul.f32 $5.776226520e-02, v9  }
0x7e: {  	(erf) = vpow2.f32 v25;
	v8 =	vadd.f32 v17, v8;
	v1 =	vadd.f32 v13, v1  }
0x7f: {  	(erf) = vpow2.f32 v15;
	v3 =	vadd.f32 v18, v3;
	v9 =	vadd.f32 $2.101178410e+00, v9  }
0x80: {  	v8 =	vmul.f32 $5.776226520e-02, v8;
	v0 =	vadd.f32 v19, v0;
	v1 =	vmul.f32 $5.776226520e-02, v1;
	v7 =	vld.idx.msk [tilespmem:v16+s17+$0x0], $0xffff  }
0x81: {  	v3 =	vmul.f32 $5.776226520e-02, v3;
	v4 =	vadd.f32 v20, v4;
	v2 =	vadd.f32 v11, v2  }
0x82: {  	v6 =	vmul.f32 $1.442695020e+00, v9;
	v0 =	vmul.f32 $5.776226520e-02, v0;
	v8 =	vadd.f32 $2.101178410e+00, v8  }
0x83: {  	v3 =	vadd.f32 $2.101178410e+00, v3;
	v4 =	vmul.f32 $5.776226520e-02, v4;
	v2 =	vmul.f32 $5.776226520e-02, v2  }
0x84: {  	v1 =	vadd.f32 $2.101178410e+00, v1;
	(erf) = vpow2.f32 v6;
	v6 =	vmul.f32 $1.442695020e+00, v8  }
0x85: {  	v3 =	vmul.f32 $1.442695020e+00, v3;
	v4 =	vadd.f32 $2.101178410e+00, v4;
	v5 =	vadd.f32 v7, v5  }
0x86: {  	v0 =	vadd.f32 $2.101178410e+00, v0;
	v1 =	vmul.f32 $1.442695020e+00, v1;
	(erf) = vpow2.f32 v6  }
0x87: {  	v4 =	vmul.f32 $1.442695020e+00, v4;
	v5 =	vmul.f32 $5.776226520e-02, v5  }
0x88: {  	v2 =	vadd.f32 $2.101178410e+00, v2;
	v0 =	vmul.f32 $1.442695020e+00, v0;
	v6 =	vpop (erf);
	(erf) = vpow2.f32 v3  }
0x89: {  	[tilespmem:s4+$0x0] =	vst v6;
	v3 =	vpop (erf);
	(erf) = vpow2.f32 v4;
	v5 =	vadd.f32 $2.101178410e+00, v5  }
0x8a: {  	v2 =	vmul.f32 $1.442695020e+00, v2;
	[tilespmem:s4+$0x30] =	vst v3;
	v3 =	vpop (erf);
	(erf) = vpow2.f32 v1  }
0x8b: {  	[tilespmem:s4+$0xFFFFFFC0] =	vst v3;
	v1 =	vpop (erf);
	(erf) = vpow2.f32 v0;
	v3 =	vmul.f32 $1.442695020e+00, v5  }
0x8c: {  	[tilespmem:s4+$0xFFFFFFE0] =	vst v1;
	v0 =	vpop (erf);
	(erf) = vpow2.f32 v2  }
0x8d: {  	[tilespmem:s4+$0x10] =	vst v0;
	v0 =	vpop (erf);
	(erf) = vpow2.f32 v3  }
0x8e: {  	v1 =	vpop (erf);
	[tilespmem:s4+$0xFFFFFFF0] =	vst v0  }
0x8f: {  	s5 =	sadd.s32 $0x80, s21;
	v0 =	vpop (erf);
	[tilespmem:s4+$0x20] =	vst v1  }
0x90: {  	v1 =	vpop (erf);
	[tilespmem:s5+$0xFFFFFFD0] =	vst v0  }
0x91: {  	[tilespmem:s5+$0x0] =	vst v1;
	v0 =	vpop (erf)  }
0x92: {  	[tilespmem:s5+$0x30] =	vst v0;
	v0 =	vpop (erf)  }
0x93: {  	[tilespmem:s5+$0xFFFFFFC0] =	vst v0;
	v0 =	vpop (erf)  }
0x94: {  	[tilespmem:s5+$0xFFFFFFE0] =	vst v0;
	v0 =	vpop (erf)  }
0x95: {  	[tilespmem:s5+$0x10] =	vst v0;
	v0 =	vpop (erf)  }
0x96: {  	[tilespmem:s5+$0xFFFFFFF0] =	vst v0;
	v0 =	vpop (erf)  }
0x97: {  	[tilespmem:s5+$0x20] =	vst v0;
	s5 =	simm.s32 $0x10000  }
0x98: {  	[hbm4b:s12+s3] =	stream.linear.scatter [tilespmem:s5], [sflag:$0x9], $0x2000, $0x38;
	[tilespmem:$0x18080] =	vst v63  }
0x99: {  	_ =	swait.ge [sflag:s30], $0x2000  }
0x9a: {  	[sflag:s30] =	ssyncset.done $0x0  }
0x9b: {  	[sflag:s30] =	ssyncadd.s32 $0xFFFFE000  }
0x9c: {  	_ =	swait.ge [sflag:s31], $0x2000  }
0x9d: {  	[sflag:s31] =	ssyncset.done $0x0  }
0x9e: {  	s6 =	simm.s32 $0x2070;
	[sflag:s31] =	ssyncadd.s32 $0xFFFFE000  }
0x9f: {  	v0 =	vld [tilespmem:s6+$0xFFFFFF90]  }
0xa0: {  	v1 =	vld [tilespmem:s6+$0xFFFFFFA0]  }
0xa1: {  	v2 =	vld [tilespmem:s6+$0xFFFFFFB0]  }
0xa2: {  	v3 =	vld [tilespmem:s6+$0xFFFFFFF0]  }
0xa3: {  	v5 =	vld [tilespmem:s6+$0xFFFFFFC0]  }
0xa4: {  	s18 =	simm.s32 $0xA070;
	v6 =	vld [tilespmem:s6+$0xFFFFFFD0]  }
0xa5: {  	v7 =	vld [tilespmem:s18+$0xFFFFFFA0]  }
0xa6: {  	v11 =	vld [tilespmem:s6+$0xFFFFFFE0]  }
0xa7: {  	v17 =	vld [tilespmem:s18+$0xFFFFFF90];
	_ =	sdelay $0x1  }
0xa8: {  	v4 =	vmax.f32 v0, $0.0e+00  }
0xa9: {  	v8 =	vld [tilespmem:s6+$0x0];
	v9 =	vmax.f32 v2, $0.0e+00;
	v10 =	vmax.f32 v1, $0.0e+00;
	v12 =	vmax.f32 v3, $0.0e+00  }
0xaa: {  	v14 =	vmax.f32 v5, $0.0e+00;
	v16 =	vmax.f32 v6, $0.0e+00;
	v21 =	vmax.f32 v11, $0.0e+00  }
0xab: {  	v0 =	vadd.f32 v17, v0;
	v1 =	vadd.f32 v7, v1;
	v4 =	vmin.f32 v4, $1.270000000e+02  }
0xac: {  	v9 =	vmin.f32 v9, $1.270000000e+02;
	v10 =	vmin.f32 v10, $1.270000000e+02;
	v4 =	vadd.f32 $1.258291200e+07, v4  }
0xad: {  	v19 =	vld [tilespmem:s18+$0xFFFFFFF0];
	v14 =	vmin.f32 v14, $1.270000000e+02;
	v17 =	vmin.f32 v21, $1.270000000e+02;
	v9 =	vadd.f32 $1.258291200e+07, v9  }
0xae: {  	v13 =	vld [tilespmem:s18+$0xFFFFFFE0];
	v21 =	vmax.f32 v8, $0.0e+00;
	v10 =	vadd.f32 $1.258291200e+07, v10;
	v4 =	vand.u32 $0x3FFFFF, v4  }
0xaf: {  	v15 =	vld [tilespmem:s18+$0xFFFFFFD0];
	v14 =	vadd.f32 $1.258291200e+07, v14;
	v7 =	vmin.f32 v21, $1.270000000e+02;
	v9 =	vand.u32 $0x3FFFFF, v9  }
0xb0: {  	v18 =	vld [tilespmem:s18+$0xFFFFFFC0];
	v12 =	vmin.f32 v12, $1.270000000e+02;
	v7 =	vadd.f32 $1.258291200e+07, v7;
	v10 =	vand.u32 $0x3FFFFF, v10  }
0xb1: {  	v20 =	vld [tilespmem:s18+$0xFFFFFFB0];
	v16 =	vmin.f32 v16, $1.270000000e+02;
	v12 =	vadd.f32 $1.258291200e+07, v12;
	v14 =	vand.u32 $0x3FFFFF, v14  }
0xb2: {  	v3 =	vadd.f32 v19, v3;
	v19 =	vld [tilespmem:s18+$0x0];
	v16 =	vadd.f32 $1.258291200e+07, v16;
	v7 =	vand.u32 $0x3FFFFF, v7  }
0xb3: {  	v12 =	vand.u32 $0x3FFFFF, v12;
	v4 =	vld.idx.msk [tilespmem:v4+s17+$0x0], $0xffff  }
0xb4: {  	v16 =	vand.u32 $0x3FFFFF, v16;
	v9 =	vld.idx.msk [tilespmem:v9+s17+$0x0], $0xffff  }
0xb5: {  	v10 =	vld.idx.msk [tilespmem:v10+s17+$0x0], $0xffff  }
0xb6: {  	v14 =	vld.idx.msk [tilespmem:v14+s17+$0x0], $0xffff  }
0xb7: {  	v2 =	vadd.f32 v20, v2;
	v17 =	vadd.f32 $1.258291200e+07, v17;
	v20 =	vld.idx.msk [tilespmem:v7+s17+$0x0], $0xffff  }
0xb8: {  	v0 =	vadd.f32 v4, v0;
	v4 =	vld.idx.msk [tilespmem:v12+s17+$0x0], $0xffff  }
0xb9: {  	v5 =	vadd.f32 v18, v5;
	s18 =	simm.s32 $0xA0F0;
	v6 =	vadd.f32 v15, v6;
	v12 =	vld.idx.msk [tilespmem:v16+s17+$0x0], $0xffff;
	v16 =	vand.u32 $0x3FFFFF, v17  }
0xba: {  	s21 =	simm.s32 $0x20F0;
	v61 =	vld [tilespmem:s18+$0xFFFFFF90];
	v8 =	vadd.f32 v19, v8;
	v1 =	vadd.f32 v10, v1  }
0xbb: {  	v17 =	vld [tilespmem:s21+$0xFFFFFFA0];
	v9 =	vadd.f32 v9, v2;
	v5 =	vadd.f32 v14, v5;
	v0 =	vmul.f32 $5.776226520e-02, v0  }
0xbc: {  	v11 =	vadd.f32 v13, v11;
	v10 =	vld [tilespmem:s21+$0xFFFFFF90];
	v20 =	vadd.f32 v20, v8;
	v1 =	vmul.f32 $5.776226520e-02, v1  }
0xbd: {  	v18 =	vld [tilespmem:s18+$0xFFFFFFA0];
	v9 =	vmul.f32 $5.776226520e-02, v9;
	v13 =	vmul.f32 $5.776226520e-02, v5;
	v0 =	vadd.f32 $2.101178410e+00, v0  }
0xbe: {  	v1 =	vadd.f32 $2.101178410e+00, v1;
	v3 =	vadd.f32 v4, v3;
	v4 =	vld.idx.msk [tilespmem:v16+s17+$0x0], $0xffff  }
0xbf: {  	v9 =	vadd.f32 $2.101178410e+00, v9;
	v13 =	vadd.f32 $2.101178410e+00, v13  }
0xc0: {  	v6 =	vadd.f32 v12, v6;
	v2 =	vmul.f32 $1.442695020e+00, v0;
	v3 =	vmul.f32 $5.776226520e-02, v3  }
0xc1: {  	v15 =	vld [tilespmem:s21+$0xFFFFFFF0];
	v12 =	vmax.f32 v17, $0.0e+00;
	v14 =	vmax.f32 v10, $0.0e+00;
	v25 =	vadd.f32 v61, v10  }
0xc2: {  	(erf) = vpow2.f32 v2;
	v2 =	vadd.f32 v18, v17;
	v18 =	vld [tilespmem:s21+$0xFFFFFFB0];
	v3 =	vadd.f32 $2.101178410e+00, v3  }
0xc3: {  	v5 =	vld [tilespmem:s21+$0xFFFFFFC0];
	v12 =	vmin.f32 v12, $1.270000000e+02;
	v16 =	vadd.f32 v4, v11;
	v4 =	vmin.f32 v14, $1.270000000e+02  }
0xc4: {  	v1 =	vmul.f32 $1.442695020e+00, v1;
	v14 =	vmul.f32 $1.442695020e+00, v3;
	v3 =	vadd.f32 $1.258291200e+07, v4;
	v4 =	vld [tilespmem:s21+$0xFFFFFFD0]  }
0xc5: {  	v60 =	vmul.f32 $1.442695020e+00, v9;
	v6 =	vmul.f32 $5.776226520e-02, v6;
	v12 =	vadd.f32 $1.258291200e+07, v12  }
0xc6: {  	v0 =	vld [tilespmem:s21+$0x0];
	v17 =	vmax.f32 v15, $0.0e+00;
	(erf) = vpow2.f32 v1;
	v21 =	vand.u32 $0x3FFFFF, v3  }
0xc7: {  	v27 =	vld [tilespmem:s18+$0xFFFFFFF0];
	v19 =	vadd.f32 $2.101178410e+00, v6;
	v6 =	vmin.f32 v17, $1.270000000e+02;
	v3 =	vmax.f32 v18, $0.0e+00  }
0xc8: {  	v63 =	vld [tilespmem:s18+$0xFFFFFFB0];
	v17 =	vmax.f32 v5, $0.0e+00;
	v12 =	vand.u32 $0x3FFFFF, v12;
	v7 =	vmin.f32 v3, $1.270000000e+02  }
0xc9: {  	v1 =	vld [tilespmem:s21+$0xFFFFFFE0];
	(erf) = vpow2.f32 v14;
	v23 =	vadd.f32 $1.258291200e+07, v7;
	v14 =	vmax.f32 v4, $0.0e+00  }
0xca: {  	v22 =	vadd.f32 $1.258291200e+07, v6;
	v6 =	vld [tilespmem:s18+$0xFFFFFFE0];
	v17 =	vmin.f32 v17, $1.270000000e+02;
	v9 =	vmin.f32 v14, $1.270000000e+02  }
0xcb: {  	v11 =	vmax.f32 v0, $0.0e+00;
	v23 =	vand.u32 $0x3FFFFF, v23;
	v14 =	vld.idx.msk [tilespmem:v21+s17+$0x0], $0xffff;
	v21 =	vadd.f32 $1.258291200e+07, v9  }
0xcc: {  	v19 =	vmul.f32 $1.442695020e+00, v19;
	v17 =	vadd.f32 $1.258291200e+07, v17;
	v22 =	vand.u32 $0x3FFFFF, v22;
	v3 =	vld [tilespmem:s18+$0x0]  }
0xcd: {  	v11 =	vmin.f32 v11, $1.270000000e+02;
	(erf) = vpow2.f32 v60;
	v12 =	vld.idx.msk [tilespmem:v12+s17+$0x0], $0xffff;
	v21 =	vand.u32 $0x3FFFFF, v21  }
0xce: {  	v28 =	vadd.f32 $1.258291200e+07, v11;
	v29 =	vand.u32 $0x3FFFFF, v17;
	v62 =	vmax.f32 v1, $0.0e+00;
	v7 =	vld [tilespmem:s18+$0xFFFFFFD0]  }
0xcf: {  	v11 =	vmul.f32 $1.442695020e+00, v13;
	v13 =	vmul.f32 $5.776226520e-02, v16;
	v17 =	vmin.f32 v62, $1.270000000e+02;
	v9 =	vld [tilespmem:s18+$0xFFFFFFC0]  }
0xd0: {  	v20 =	vmul.f32 $5.776226520e-02, v20;
	s21 =	simm.s32 $0x12070;
	v17 =	vadd.f32 $1.258291200e+07, v17;
	v8 =	vpop (erf);
	(erf) = vpow2.f32 v19;
	v10 =	vld.idx.msk [tilespmem:v23+s17+$0x0], $0xffff  }
0xd1: {  	s4 =	simm.s32 $0x12070;
	[tilespmem:s21+$0xFFFFFF90] =	vst v8;
	v16 =	vpop (erf);
	v8 =	vand.u32 $0x3FFFFF, v28;
	v23 =	vadd.f32 v14, v25;
	v14 =	vld.idx.msk [tilespmem:v22+s17+$0x0], $0xffff;
	v22 =	vadd.f32 $2.101178410e+00, v13  }
0xd2: {  	s5 =	simm.s32 $0x2080;
	[tilespmem:s21+$0xFFFFFFA0] =	vst v16;
	v16 =	vand.u32 $0x3FFFFF, v17;
	v17 =	vadd.f32 v27, v15;
	v19 =	vpop (erf);
	v13 =	vld.idx.msk [tilespmem:v21+s17+$0x0], $0xffff;
	v21 =	vadd.f32 $2.101178410e+00, v20  }
0xd3: {  	s6 =	simm.s32 $0x2170;
	v15 =	vld.idx.msk [tilespmem:v29+s17+$0x0], $0xffff;
	[tilespmem:s21+$0xFFFFFFF0] =	vst v19;
	v19 =	vmul.f32 $5.776226520e-02, v23;
	v20 =	vadd.f32 v63, v18;
	v18 =	vmul.f32 $1.442695020e+00, v22  }
.LBB2_4:
0xd4: {  	v22 =	vld [tilespmem:s6+$0xFFFFFFA0];
	s5 =	sadd.s32 $0x80, s5;
	v5 =	vadd.f32 v9, v5;
	s18 =	sadd.s32 $0x80, s18;
	v9 =	vmul.f32 $1.442695020e+00, v21;
	s21 =	sadd.s32 $0x80, s21  }
0xd5: {  	v21 =	vld [tilespmem:s18+$0xFFFFFFA0];
	p0 =	slt.u32 s5, $0x3F80;
	v19 =	vadd.f32 $2.101178410e+00, v19;
	v10 =	vadd.f32 v10, v20;
	(erf) = vpow2.f32 v11  }
0xd6: {  	v4 =	vadd.f32 v7, v4;
	v2 =	vadd.f32 v12, v2;
	v11 =	vld [tilespmem:s6+$0xFFFFFF90];
	v7 =	vpop (erf);
	(erf) = vpow2.f32 v9  }
0xd7: {  	v17 =	vadd.f32 v14, v17;
	v9 =	vmul.f32 $1.442695020e+00, v19;
	v12 =	vld.idx.msk [tilespmem:v16+s17+$0x0], $0xffff;
	[tilespmem:s4+$0xFFFFFFB0] =	vst v7;
	(erf) = vpow2.f32 v18  }
0xd8: {  	v16 =	vmul.f32 $5.776226520e-02, v2;
	v2 =	vadd.f32 v13, v4;
	v4 =	vadd.f32 v6, v1;
	v7 =	vld [tilespmem:s6+$0x0]  }
0xd9: {  	v5 =	vadd.f32 v15, v5;
	v1 =	vmax.f32 v22, $0.0e+00;
	v18 =	vld [tilespmem:s6+$0xFFFFFFB0];
	(erf) = vpow2.f32 v9  }
0xda: {  	v13 =	vmul.f32 $5.776226520e-02, v17;
	v6 =	vmul.f32 $5.776226520e-02, v2;
	v9 =	vmin.f32 v1, $1.270000000e+02;
	v1 =	vld [tilespmem:s6+$0xFFFFFFE0];
	v14 =	vpop (erf)  }
0xdb: {  	v10 =	vmul.f32 $5.776226520e-02, v10;
	v16 =	vadd.f32 $2.101178410e+00, v16;
	v2 =	vadd.f32 v21, v22;
	v15 =	vld [tilespmem:s6+$0xFFFFFFF0];
	[tilespmem:s4+$0xFFFFFFD0] =	vst v14  }
0xdc: {  	v17 =	vadd.f32 v3, v0;
	v13 =	vadd.f32 $2.101178410e+00, v13;
	v14 =	vmul.f32 $5.776226520e-02, v5;
	v8 =	vld.idx.msk [tilespmem:v8+s17+$0x0], $0xffff  }
0xdd: {  	v3 =	vmax.f32 v11, $0.0e+00;
	v20 =	vmul.f32 $1.442695020e+00, v16;
	v12 =	vadd.f32 v12, v4;
	v5 =	vld [tilespmem:s6+$0xFFFFFFC0];
	v0 =	vmovc v7  }
0xde: {  	v3 =	vmin.f32 v3, $1.270000000e+02;
	v13 =	vmul.f32 $1.442695020e+00, v13;
	v7 =	vmax.f32 v0, $0.0e+00;
	v19 =	vpop (erf)  }
0xdf: {  	v10 =	vadd.f32 $2.101178410e+00, v10;
	v3 =	vadd.f32 $1.258291200e+07, v3;
	v4 =	vld [tilespmem:s6+$0xFFFFFFD0];
	(erf) = vpow2.f32 v20;
	[tilespmem:s4+$0xFFFFFFC0] =	vst v19;
	v16 =	vpop (erf)  }
0xe0: {  	v20 =	vmin.f32 v7, $1.270000000e+02;
	v7 =	vadd.f32 $2.101178410e+00, v6;
	v19 =	vmax.f32 v15, $0.0e+00;
	[tilespmem:s4+$0x0] =	vst v16;
	v6 =	vpop (erf)  }
0xe1: {  	v16 =	vand.u32 $0x3FFFFF, v3;
	v3 =	vmax.f32 v18, $0.0e+00;
	v19 =	vmin.f32 v19, $1.270000000e+02;
	[tilespmem:s4+$0xFFFFFFE0] =	vst v6;
	s4 =	smov.u32 s21  }
0xe2: {  	v6 =	vmin.f32 v3, $1.270000000e+02;
	v21 =	vmax.f32 v5, $0.0e+00;
	v19 =	vadd.f32 $1.258291200e+07, v19;
	v3 =	vld [tilespmem:s18+$0x0];
	v22 =	vpop (erf)  }
0xe3: {  	v23 =	vadd.f32 $1.258291200e+07, v6;
	v6 =	vld [tilespmem:s18+$0xFFFFFFE0];
	[tilespmem:s21+$0xFFFFFF90] =	vst v22;
	v22 =	vmul.f32 $1.442695020e+00, v7;
	(erf) = vpow2.f32 v13  }
0xe4: {  	v9 =	vadd.f32 $1.258291200e+07, v9;
	v10 =	vmul.f32 $1.442695020e+00, v10;
	v7 =	vld [tilespmem:s18+$0xFFFFFFD0];
	v13 =	vmax.f32 v4, $0.0e+00  }
0xe5: {  	v21 =	vmin.f32 v21, $1.270000000e+02;
	v23 =	vand.u32 $0x3FFFFF, v23;
	v24 =	vld [tilespmem:s18+$0xFFFFFF90];
	v13 =	vmin.f32 v13, $1.270000000e+02  }
0xe6: {  	v25 =	vand.u32 $0x3FFFFF, v9;
	v19 =	vand.u32 $0x3FFFFF, v19;
	v16 =	vld.idx.msk [tilespmem:v16+s17+$0x0], $0xffff;
	v13 =	vadd.f32 $1.258291200e+07, v13  }
0xe7: {  	v14 =	vadd.f32 $2.101178410e+00, v14;
	v26 =	vmax.f32 v1, $0.0e+00;
	v21 =	vadd.f32 $1.258291200e+07, v21;
	v9 =	vld [tilespmem:s18+$0xFFFFFFC0]  }
0xe8: {  	v20 =	vadd.f32 $1.258291200e+07, v20;
	v13 =	vand.u32 $0x3FFFFF, v13;
	v27 =	vld [tilespmem:s18+$0xFFFFFFF0];
	v28 =	vpop (erf);
	(erf) = vpow2.f32 v10  }
0xe9: {  	v17 =	vadd.f32 v8, v17;
	v30 =	vand.u32 $0x3FFFFF, v21;
	v21 =	vmin.f32 v26, $1.270000000e+02;
	v29 =	vld [tilespmem:s18+$0xFFFFFFB0];
	[tilespmem:s21+$0xFFFFFFA0] =	vst v28  }
.Ltmp1:
0xea: {  	v24 =	vadd.f32 v24, v11;
	v10 =	vld.idx.msk [tilespmem:v23+s17+$0x0], $0xffff;
	v11 =	vmul.f32 $1.442695020e+00, v14;
	v23 =	vmul.f32 $5.776226520e-02, v12;
	(pc) =	sbr.rel @p0 .LBB2_4-.Ltmp1, $4  }
0xeb: {  	v8 =	vand.u32 $0x3FFFFF, v20;
	v20 =	vmul.f32 $5.776226520e-02, v17;
	v21 =	vadd.f32 $1.258291200e+07, v21;
	v12 =	vld.idx.msk [tilespmem:v25+s17+$0x0], $0xffff  }
0xec: {  	v24 =	vadd.f32 v16, v24;
	v14 =	vld.idx.msk [tilespmem:v19+s17+$0x0], $0xffff;
	v23 =	vadd.f32 $2.101178410e+00, v23;
	(erf) = vpow2.f32 v22;
	v19 =	vpop (erf)  }
0xed: {  	v16 =	vand.u32 $0x3FFFFF, v21;
	v21 =	vadd.f32 $2.101178410e+00, v20;
	v13 =	vld.idx.msk [tilespmem:v13+s17+$0x0], $0xffff;
	v17 =	vadd.f32 v27, v15;
	[tilespmem:s21+$0xFFFFFFF0] =	vst v19  }
0xee: {  	s6 =	sadd.s32 $0x80, s6;
	v19 =	vmul.f32 $5.776226520e-02, v24;
	v20 =	vadd.f32 v29, v18;
	v15 =	vld.idx.msk [tilespmem:v30+s17+$0x0], $0xffff;
	v18 =	vmul.f32 $1.442695020e+00, v23  }
0xef: {  	_ =	sdelay $0x1  }
0xf0: {  	v5 =	vadd.f32 v9, v5  }
0xf1: {  	v9 =	vmul.f32 $1.442695020e+00, v21;
	v4 =	vadd.f32 v7, v4;
	v1 =	vadd.f32 v6, v1  }
0xf2: {  	(erf) = vpow2.f32 v11;
	v8 =	vld.idx.msk [tilespmem:v8+s17+$0x0], $0xffff;
	v19 =	vadd.f32 $2.101178410e+00, v19;
	v2 =	vadd.f32 v12, v2  }
0xf3: {  	v11 =	vld.idx.msk [tilespmem:v16+s17+$0x0], $0xffff;
	v0 =	vadd.f32 v3, v0;
	v10 =	vadd.f32 v10, v20;
	(erf) = vpow2.f32 v9  }
0xf4: {  	v9 =	vadd.f32 v14, v17;
	v7 =	vmul.f32 $1.442695020e+00, v19;
	v2 =	vmul.f32 $5.776226520e-02, v2  }
0xf5: {  	(erf) = vpow2.f32 v18;
	v4 =	vadd.f32 v13, v4;
	v5 =	vadd.f32 v15, v5  }
0xf6: {  	v6 =	vmul.f32 $5.776226520e-02, v9;
	(erf) = vpow2.f32 v7;
	v2 =	vadd.f32 $2.101178410e+00, v2  }
0xf7: {  	v3 =	vmul.f32 $5.776226520e-02, v4;
	v4 =	vmul.f32 $5.776226520e-02, v10;
	v0 =	vadd.f32 v8, v0  }
0xf8: {  	v1 =	vadd.f32 v11, v1;
	v6 =	vadd.f32 $2.101178410e+00, v6;
	v2 =	vmul.f32 $1.442695020e+00, v2  }
0xf9: {  	v5 =	vmul.f32 $5.776226520e-02, v5;
	v4 =	vadd.f32 $2.101178410e+00, v4;
	v0 =	vmul.f32 $5.776226520e-02, v0  }
0xfa: {  	v6 =	vmul.f32 $1.442695020e+00, v6;
	(erf) = vpow2.f32 v2;
	v2 =	vadd.f32 $2.101178410e+00, v3  }
0xfb: {  	v1 =	vmul.f32 $5.776226520e-02, v1;
	v3 =	vmul.f32 $1.442695020e+00, v4;
	v4 =	vadd.f32 $2.101178410e+00, v5  }
0xfc: {  	v0 =	vadd.f32 $2.101178410e+00, v0;
	(erf) = vpow2.f32 v6;
	v2 =	vmul.f32 $1.442695020e+00, v2  }
0xfd: {  	v1 =	vadd.f32 $2.101178410e+00, v1;
	(erf) = vpow2.f32 v3  }
0xfe: {  	v3 =	vmul.f32 $1.442695020e+00, v4;
	v0 =	vmul.f32 $1.442695020e+00, v0  }
0xff: {  	v1 =	vmul.f32 $1.442695020e+00, v1;
	v4 =	vpop (erf);
	(erf) = vpow2.f32 v2  }
0x100: {  	[tilespmem:s4+$0xFFFFFFB0] =	vst v4;
	v2 =	vpop (erf);
	(erf) = vpow2.f32 v3  }
0x101: {  	[tilespmem:s4+$0xFFFFFFD0] =	vst v2;
	v2 =	vpop (erf);
	(erf) = vpow2.f32 v0  }
0x102: {  	[tilespmem:s4+$0xFFFFFFC0] =	vst v2;
	v0 =	vpop (erf);
	(erf) = vpow2.f32 v1  }
0x103: {  	v1 =	vpop (erf);
	[tilespmem:s4+$0x0] =	vst v0  }
0x104: {  	s5 =	sadd.s32 $0x80, s21;
	v0 =	vpop (erf);
	[tilespmem:s4+$0xFFFFFFE0] =	vst v1  }
0x105: {  	v1 =	vpop (erf);
	[tilespmem:s5+$0xFFFFFF90] =	vst v0  }
0x106: {  	v0 =	vpop (erf);
	[tilespmem:s5+$0xFFFFFFA0] =	vst v1  }
0x107: {  	[tilespmem:s5+$0xFFFFFFF0] =	vst v0;
	v0 =	vpop (erf)  }
0x108: {  	[tilespmem:s5+$0xFFFFFFB0] =	vst v0;
	v0 =	vpop (erf)  }
0x109: {  	[tilespmem:s5+$0xFFFFFFD0] =	vst v0;
	v0 =	vpop (erf)  }
0x10a: {  	[tilespmem:s5+$0xFFFFFFC0] =	vst v0;
	v0 =	vpop (erf)  }
0x10b: {  	[tilespmem:s5+$0x0] =	vst v0;
	v0 =	vpop (erf)  }
0x10c: {  	s18 =	simm.s32 $0x0;
	s21 =	simm.s32 $0x12000;
	[tilespmem:s5+$0xFFFFFFE0] =	vst v0  }
0x10d: {  	[hbm4b:s13+s18] =	stream.linear.scatter [tilespmem:s21], [sflag:$0xA], $0x2000, $0x38;
	[tilespmem:$0x18080] =	vst v63  }
0x10e: {  	_ =	swait.ge [sflag:s2], $0x2000  }
0x10f: {  	[sflag:s2] =	ssyncset.done $0x0  }
0x110: {  	[sflag:s2] =	ssyncadd.s32 $0xFFFFE000  }
0x111: {  	_ =	swait.ge [sflag:s1], $0x2000  }
0x112: {  	[sflag:s1] =	ssyncset.done $0x0  }
0x113: {  	s18 =	simm.s32 $0x0;
	[sflag:s1] =	ssyncadd.s32 $0xFFFFE000  }
0x114: {  	v0 =	vld [tilespmem:s18+$0x4070]  }
0x115: {  	v2 =	vld [tilespmem:s18+$0x4020]  }
0x116: {  	v3 =	vld [tilespmem:s18+$0x4000]  }
0x117: {  	v4 =	vld [tilespmem:s18+$0xC060]  }
0x118: {  	v5 =	vld [tilespmem:s18+$0x4040]  }
0x119: {  	v6 =	vld [tilespmem:s18+$0x4030];
	v1 =	vmax.f32 v0, $0.0e+00  }
0x11a: {  	v7 =	vld [tilespmem:s18+$0x4060];
	v1 =	vmin.f32 v1, $1.270000000e+02  }
0x11b: {  	v8 =	vld [tilespmem:s18+$0x4010];
	v1 =	vadd.f32 $1.258291200e+07, v1  }
0x11c: {  	v11 =	vld [tilespmem:s18+$0x4050];
	v9 =	vmax.f32 v3, $0.0e+00  }
0x11d: {  	v10 =	vld [tilespmem:s18+$0xC040];
	v9 =	vmin.f32 v9, $1.270000000e+02;
	v1 =	vand.u32 $0x3FFFFF, v1  }
0x11e: {  	v13 =	vld [tilespmem:s18+$0xC070];
	v9 =	vadd.f32 $1.258291200e+07, v9  }
0x11f: {  	v15 =	vld [tilespmem:s18+$0xC010];
	v12 =	vmax.f32 v5, $0.0e+00  }
0x120: {  	v16 =	vld [tilespmem:s18+$0xC020];
	v14 =	vmax.f32 v6, $0.0e+00;
	v12 =	vmin.f32 v12, $1.270000000e+02;
	v9 =	vand.u32 $0x3FFFFF, v9  }
0x121: {  	v18 =	vld [tilespmem:s18+$0xC000];
	v17 =	vmax.f32 v11, $0.0e+00;
	v14 =	vmin.f32 v14, $1.270000000e+02;
	v12 =	vadd.f32 $1.258291200e+07, v12  }
0x122: {  	v17 =	vmin.f32 v17, $1.270000000e+02;
	v14 =	vadd.f32 $1.258291200e+07, v14;
	v1 =	vld.idx.msk [tilespmem:v1+s17+$0x0], $0xffff  }
0x123: {  	s21 =	simm.s32 $0x80;
	v20 =	vld [tilespmem:s18+$0xC050];
	v0 =	vadd.f32 v13, v0;
	v13 =	vadd.f32 $1.258291200e+07, v17;
	v12 =	vand.u32 $0x3FFFFF, v12  }
0x124: {  	v23 =	vld [tilespmem:s21+$0x4070];
	v19 =	vmax.f32 v2, $0.0e+00;
	v14 =	vand.u32 $0x3FFFFF, v14  }
0x125: {  	v21 =	vmax.f32 v8, $0.0e+00;
	v19 =	vmin.f32 v19, $1.270000000e+02;
	v13 =	vand.u32 $0x3FFFFF, v13;
	v9 =	vld.idx.msk [tilespmem:v9+s17+$0x0], $0xffff  }
0x126: {  	v22 =	vmax.f32 v7, $0.0e+00;
	v24 =	vadd.f32 v4, v7;
	v4 =	vld [tilespmem:s21+$0x4000];
	v19 =	vadd.f32 $1.258291200e+07, v19  }
0x127: {  	v3 =	vadd.f32 v18, v3;
	v17 =	vmin.f32 v21, $1.270000000e+02;
	v21 =	vld [tilespmem:s18+$0xC030];
	v0 =	vadd.f32 v1, v0  }
0x128: {  	v5 =	vadd.f32 v10, v5;
	v17 =	vadd.f32 $1.258291200e+07, v17;
	v18 =	vand.u32 $0x3FFFFF, v19;
	v12 =	vld.idx.msk [tilespmem:v12+s17+$0x0], $0xffff  }
0x129: {  	v11 =	vadd.f32 v20, v11;
	v19 =	vmin.f32 v22, $1.270000000e+02;
	v14 =	vld.idx.msk [tilespmem:v14+s17+$0x0], $0xffff;
	v22 =	vmul.f32 $5.776226520e-02, v0  }
0x12a: {  	v16 =	vadd.f32 v16, v2;
	v13 =	vld.idx.msk [tilespmem:v13+s17+$0x0], $0xffff;
	v3 =	vadd.f32 v9, v3;
	v9 =	vand.u32 $0x3FFFFF, v17  }
0x12b: {  	v19 =	vadd.f32 $1.258291200e+07, v19;
	v1 =	vld [tilespmem:s21+$0x4030];
	v10 =	vadd.f32 $2.101178410e+00, v22  }
0x12c: {  	v8 =	vadd.f32 v15, v8;
	v6 =	vadd.f32 v21, v6;
	v0 =	vld [tilespmem:s21+$0x4020];
	v3 =	vmul.f32 $5.776226520e-02, v3  }
0x12d: {  	v17 =	vand.u32 $0x3FFFFF, v19;
	v5 =	vadd.f32 v12, v5;
	v7 =	vmul.f32 $1.442695020e+00, v10;
	v10 =	vld.idx.msk [tilespmem:v18+s17+$0x0], $0xffff  }
0x12e: {  	v19 =	vmax.f32 v23, $0.0e+00;
	v6 =	vadd.f32 v14, v6;
	v18 =	vadd.f32 $2.101178410e+00, v3;
	v3 =	vld [tilespmem:s21+$0x4010]  }
0x12f: {  	v21 =	vadd.f32 v13, v11;
	v11 =	vmax.f32 v4, $0.0e+00;
	v2 =	vmin.f32 v19, $1.270000000e+02;
	v9 =	vld.idx.msk [tilespmem:v9+s17+$0x0], $0xffff  }
0x130: {  	v25 =	vmul.f32 $5.776226520e-02, v5;
	v14 =	vadd.f32 $1.258291200e+07, v2;
	(erf) = vpow2.f32 v7;
	v7 =	vld [tilespmem:s21+$0x4040]  }
0x131: {  	v2 =	vld [tilespmem:s21+$0xC060];
	v15 =	vmul.f32 $5.776226520e-02, v6;
	v6 =	vmin.f32 v11, $1.270000000e+02;
	v11 =	vmax.f32 v0, $0.0e+00  }
0x132: {  	v5 =	vld [tilespmem:s21+$0x4060];
	v14 =	vand.u32 $0x3FFFFF, v14;
	v18 =	vmul.f32 $1.442695020e+00, v18;
	v11 =	vmin.f32 v11, $1.270000000e+02  }
0x133: {  	v26 =	vld.idx.msk [tilespmem:v17+s17+$0x0], $0xffff;
	v13 =	vadd.f32 v10, v16;
	v10 =	vadd.f32 $1.258291200e+07, v6;
	v6 =	vmax.f32 v3, $0.0e+00  }
0x134: {  	v27 =	vadd.f32 $2.101178410e+00, v15;
	v15 =	vadd.f32 $1.258291200e+07, v11;
	v19 =	vmin.f32 v6, $1.270000000e+02;
	v6 =	vld [tilespmem:s21+$0x4050]  }
0x135: {  	v11 =	vld [tilespmem:s21+$0xC020];
	v20 =	vadd.f32 v9, v8;
	(erf) = vpow2.f32 v18;
	v8 =	vmax.f32 v7, $0.0e+00  }
0x136: {  	v12 =	vmax.f32 v1, $0.0e+00;
	v16 =	vld [tilespmem:s21+$0xC070];
	v17 =	vadd.f32 $1.258291200e+07, v19;
	v18 =	vmin.f32 v8, $1.270000000e+02  }
0x137: {  	v12 =	vmin.f32 v12, $1.270000000e+02;
	v9 =	vld [tilespmem:s21+$0xC040];
	v19 =	vand.u32 $0x3FFFFF, v10;
	v10 =	vadd.f32 $1.258291200e+07, v18  }
0x138: {  	v12 =	vadd.f32 $1.258291200e+07, v12;
	v28 =	vmax.f32 v5, $0.0e+00;
	v8 =	vld [tilespmem:s21+$0xC010];
	v29 =	vand.u32 $0x3FFFFF, v17  }
0x139: {  	v18 =	vmul.f32 $5.776226520e-02, v20;
	v20 =	vld.idx.msk [tilespmem:v14+s17+$0x0], $0xffff;
	v17 =	vand.u32 $0x3FFFFF, v10;
	v10 =	vmax.f32 v6, $0.0e+00  }
0x13a: {  	v32 =	vmin.f32 v28, $1.270000000e+02;
	v28 =	vmul.f32 $1.442695020e+00, v27;
	v14 =	vand.u32 $0x3FFFFF, v15;
	v15 =	vld [tilespmem:s21+$0xC030]  }
0x13b: {  	s4 =	simm.s32 $0x4080;
	v31 =	vadd.f32 v26, v24;
	v22 =	vadd.f32 v16, v23;
	v16 =	vand.u32 $0x3FFFFF, v12;
	v12 =	vld [tilespmem:s21+$0xC050]  }
0x13c: {  	s5 =	simm.s32 $0x400;
	v27 =	vadd.f32 $1.258291200e+07, v32;
	v23 =	vmul.f32 $5.776226520e-02, v21;
	v21 =	vld [tilespmem:s21+$0xC000];
	v30 =	vmin.f32 v10, $1.270000000e+02;
	v10 =	vpop (erf)  }
0x13d: {  	v24 =	vadd.f32 $2.101178410e+00, v25;
	v25 =	vmul.f32 $5.776226520e-02, v31;
	v26 =	vadd.f32 $1.258291200e+07, v30;
	[tilespmem:s18+$0x14070] =	vst v10;
	v10 =	vld.idx.msk [tilespmem:v29+s17+$0x0], $0xffff  }
.LBB2_6:
0x13e: {  	s6 =	sshra.s32 s5, $0x2;
	s4 =	sadd.s32 $0x80, s4;
	v19 =	vld.idx.msk [tilespmem:v19+s17+$0x0], $0xffff;
	v20 =	vadd.f32 v20, v22;
	v13 =	vmul.f32 $5.776226520e-02, v13;
	v22 =	vpop (erf);
	(erf) = vpow2.f32 v28  }
0x13f: {  	v18 =	vadd.f32 $2.101178410e+00, v18;
	v24 =	vmul.f32 $1.442695020e+00, v24;
	v23 =	vadd.f32 $2.101178410e+00, v23;
	v28 =	vld [tilespmem:s6+$0x4020]  }
0x140: {  	v26 =	vand.u32 $0x3FFFFF, v26;
	v27 =	vand.u32 $0x3FFFFF, v27;
	v25 =	vadd.f32 $2.101178410e+00, v25;
	v29 =	vld [tilespmem:s6+$0xC060]  }
0x141: {  	v20 =	vmul.f32 $5.776226520e-02, v20;
	v13 =	vadd.f32 $2.101178410e+00, v13;
	v23 =	vmul.f32 $1.442695020e+00, v23;
	v17 =	vld.idx.msk [tilespmem:v17+s17+$0x0], $0xffff  }
0x142: {  	p0 =	slt.u32 s4, $0x5F80;
	v18 =	vmul.f32 $1.442695020e+00, v18;
	v4 =	vadd.f32 v21, v4;
	v30 =	vld [tilespmem:s6+$0x4030];
	(erf) = vpow2.f32 v24  }
0x143: {  	v7 =	vadd.f32 v9, v7;
	v9 =	vmul.f32 $1.442695020e+00, v13;
	v13 =	vmul.f32 $1.442695020e+00, v25;
	v16 =	vld.idx.msk [tilespmem:v16+s17+$0x0], $0xffff  }
0x144: {  	v20 =	vadd.f32 $2.101178410e+00, v20;
	v19 =	vadd.f32 v19, v4;
	v21 =	vld [tilespmem:s6+$0x4070];
	(erf) = vpow2.f32 v23  }
0x145: {  	v24 =	vadd.f32 v2, v5;
	v23 =	vld.idx.msk [tilespmem:v26+s17+$0x0], $0xffff;
	(erf) = vpow2.f32 v18;
	v2 =	vmov v29  }
0x146: {  	v15 =	vadd.f32 v15, v1;
	v18 =	vmul.f32 $5.776226520e-02, v19;
	v4 =	vld [tilespmem:s6+$0x4000];
	(erf) = vpow2.f32 v13  }
0x147: {  	v7 =	vadd.f32 v17, v7;
	v13 =	vld.idx.msk [tilespmem:v14+s17+$0x0], $0xffff;
	v14 =	vmul.f32 $1.442695020e+00, v20;
	(erf) = vpow2.f32 v9;
	v9 =	vpop (erf)  }
0x148: {  	v17 =	vmax.f32 v30, $0.0e+00;
	v18 =	vadd.f32 $2.101178410e+00, v18;
	v20 =	vadd.f32 v12, v6;
	v1 =	vmovc v30;
	v5 =	vld [tilespmem:s6+$0x4060];
	[tilespmem:s18+$0x14000] =	vst v22  }
0x149: {  	v11 =	vadd.f32 v11, v0;
	v0 =	vmovc v28;
	v15 =	vadd.f32 v16, v15;
	v12 =	vld [tilespmem:s6+$0x4010];
	v19 =	vmax.f32 v21, $0.0e+00;
	[tilespmem:s18+$0x14030] =	vst v9  }
0x14a: {  	v25 =	vmul.f32 $5.776226520e-02, v7;
	v9 =	vld [tilespmem:s6+$0xC040];
	v16 =	vmin.f32 v19, $1.270000000e+02;
	(erf) = vpow2.f32 v14  }
0x14b: {  	v23 =	vadd.f32 v23, v20;
	v7 =	vld [tilespmem:s6+$0x4040];
	v14 =	vadd.f32 $1.258291200e+07, v16;
	v16 =	vmul.f32 $1.442695020e+00, v18;
	v6 =	vpop (erf)  }
0x14c: {  	v20 =	vadd.f32 v8, v3;
	v8 =	vmul.f32 $5.776226520e-02, v15;
	v18 =	vmax.f32 v4, $0.0e+00;
	[tilespmem:s18+$0x14040] =	vst v6  }
0x14d: {  	v15 =	vmax.f32 v0, $0.0e+00;
	v6 =	vmin.f32 v18, $1.270000000e+02;
	v13 =	vadd.f32 v13, v11;
	v11 =	vpop (erf)  }
0x14e: {  	v18 =	vadd.f32 $1.258291200e+07, v6;
	v14 =	vand.u32 $0x3FFFFF, v14;
	v6 =	vmax.f32 v12, $0.0e+00;
	v22 =	vld [tilespmem:s6+$0xC070];
	[tilespmem:s18+$0x14050] =	vst v11;
	v11 =	vpop (erf)  }
0x14f: {  	v17 =	vmin.f32 v17, $1.270000000e+02;
	v10 =	vadd.f32 v10, v20;
	v19 =	vmin.f32 v6, $1.270000000e+02;
	v6 =	vld [tilespmem:s6+$0x4050];
	[tilespmem:s18+$0x14010] =	vst v11;
	v3 =	vpop (erf)  }
0x150: {  	v11 =	vmin.f32 v15, $1.270000000e+02;
	v15 =	vmax.f32 v7, $0.0e+00;
	v26 =	vld.idx.msk [tilespmem:v27+s17+$0x0], $0xffff;
	(erf) = vpow2.f32 v16;
	[tilespmem:s18+$0x14060] =	vst v3;
	v3 =	vpop (erf)  }
0x151: {  	v16 =	vadd.f32 $1.258291200e+07, v19;
	v27 =	vadd.f32 $2.101178410e+00, v8;
	v15 =	vmin.f32 v15, $1.270000000e+02;
	[tilespmem:s18+$0x14020] =	vst v3;
	v3 =	vmovc v12;
	s18 =	smov.u32 s21;
	s21 =	smov.u32 s6  }
0x152: {  	v19 =	vand.u32 $0x3FFFFF, v18;
	v18 =	vmul.f32 $5.776226520e-02, v10;
	v8 =	vld [tilespmem:s21+$0xC010];
	v12 =	vadd.f32 $1.258291200e+07, v15  }
0x153: {  	v10 =	vand.u32 $0x3FFFFF, v16;
	v15 =	vadd.f32 $1.258291200e+07, v11;
	v16 =	vadd.f32 $1.258291200e+07, v17;
	v20 =	vld.idx.msk [tilespmem:v14+s17+$0x0], $0xffff;
	v14 =	vpop (erf)  }
.Ltmp2:
0x154: {  	v22 =	vadd.f32 v22, v21;
	v11 =	vld [tilespmem:s21+$0xC020];
	v17 =	vand.u32 $0x3FFFFF, v12;
	v28 =	vmax.f32 v6, $0.0e+00;
	[tilespmem:s18+$0x14070] =	vst v14;
	(pc) =	sbr.rel @p0 .LBB2_6-.Ltmp2, $4  }
0x155: {  	v29 =	vmax.f32 v5, $0.0e+00;
	v14 =	vand.u32 $0x3FFFFF, v15;
	v16 =	vand.u32 $0x3FFFFF, v16;
	v12 =	vld [tilespmem:s21+$0xC050]  }
0x156: {  	v23 =	vmul.f32 $5.776226520e-02, v23;
	v30 =	vmin.f32 v28, $1.270000000e+02;
	v31 =	vadd.f32 v26, v24;
	v15 =	vld [tilespmem:s21+$0xC030]  }
0x157: {  	v29 =	vmin.f32 v29, $1.270000000e+02;
	v28 =	vmul.f32 $1.442695020e+00, v27;
	v24 =	vadd.f32 $2.101178410e+00, v25;
	v21 =	vld [tilespmem:s21+$0xC000]  }
0x158: {  	s5 =	sadd.s32 $0x200, s5;
	v27 =	vadd.f32 $1.258291200e+07, v29;
	v26 =	vadd.f32 $1.258291200e+07, v30;
	v25 =	vmul.f32 $5.776226520e-02, v31;
	v10 =	vld.idx.msk [tilespmem:v10+s17+$0x0], $0xffff  }
0x159: {  	_ =	sdelay $0x1  }
0x15a: {  	v20 =	vadd.f32 v20, v22;
	v13 =	vmul.f32 $5.776226520e-02, v13  }
0x15b: {  	v18 =	vadd.f32 $2.101178410e+00, v18;
	v22 =	vmul.f32 $1.442695020e+00, v24;
	v23 =	vadd.f32 $2.101178410e+00, v23  }
0x15c: {  	v19 =	vld.idx.msk [tilespmem:v19+s17+$0x0], $0xffff;
	v7 =	vadd.f32 v9, v7;
	v2 =	vadd.f32 v2, v5;
	v24 =	vand.u32 $0x3FFFFF, v26  }
0x15d: {  	(erf) = vpow2.f32 v28;
	v0 =	vadd.f32 v11, v0;
	v3 =	vadd.f32 v8, v3  }
0x15e: {  	v17 =	vld.idx.msk [tilespmem:v17+s17+$0x0], $0xffff;
	v26 =	vand.u32 $0x3FFFFF, v27;
	v6 =	vadd.f32 v12, v6;
	v20 =	vmul.f32 $5.776226520e-02, v20  }
0x15f: {  	v16 =	vld.idx.msk [tilespmem:v16+s17+$0x0], $0xffff;
	v13 =	vadd.f32 $2.101178410e+00, v13;
	v23 =	vmul.f32 $1.442695020e+00, v23;
	v4 =	vadd.f32 v21, v4  }
0x160: {  	v18 =	vmul.f32 $1.442695020e+00, v18;
	(erf) = vpow2.f32 v22;
	v21 =	vadd.f32 $2.101178410e+00, v25  }
0x161: {  	v13 =	vmul.f32 $1.442695020e+00, v13;
	v4 =	vadd.f32 v19, v4;
	v19 =	vadd.f32 $2.101178410e+00, v20;
	v20 =	vld.idx.msk [tilespmem:v24+s17+$0x0], $0xffff  }
0x162: {  	v5 =	vld.idx.msk [tilespmem:v14+s17+$0x0], $0xffff;
	v1 =	vadd.f32 v15, v1;
	(erf) = vpow2.f32 v23;
	v9 =	vmul.f32 $1.442695020e+00, v21  }
0x163: {  	(erf) = vpow2.f32 v18;
	v7 =	vadd.f32 v17, v7;
	v14 =	vld.idx.msk [tilespmem:v26+s17+$0x0], $0xffff;
	v4 =	vmul.f32 $5.776226520e-02, v4  }
0x164: {  	v3 =	vadd.f32 v10, v3;
	v1 =	vadd.f32 v16, v1;
	(erf) = vpow2.f32 v9  }
0x165: {  	v9 =	vmul.f32 $1.442695020e+00, v19;
	v7 =	vmul.f32 $5.776226520e-02, v7;
	v4 =	vadd.f32 $2.101178410e+00, v4  }
0x166: {  	v1 =	vmul.f32 $5.776226520e-02, v1;
	(erf) = vpow2.f32 v13;
	v6 =	vadd.f32 v20, v6  }
0x167: {  	v0 =	vadd.f32 v5, v0;
	(erf) = vpow2.f32 v9;
	v4 =	vmul.f32 $1.442695020e+00, v4  }
0x168: {  	v1 =	vadd.f32 $2.101178410e+00, v1;
	v2 =	vadd.f32 v14, v2;
	v5 =	vmul.f32 $5.776226520e-02, v6  }
0x169: {  	v3 =	vmul.f32 $5.776226520e-02, v3;
	(erf) = vpow2.f32 v4;
	v4 =	vadd.f32 $2.101178410e+00, v7  }
0x16a: {  	v1 =	vmul.f32 $1.442695020e+00, v1;
	v2 =	vmul.f32 $5.776226520e-02, v2;
	v5 =	vadd.f32 $2.101178410e+00, v5  }
0x16b: {  	v0 =	vmul.f32 $5.776226520e-02, v0;
	v3 =	vadd.f32 $2.101178410e+00, v3;
	v4 =	vmul.f32 $1.442695020e+00, v4  }
0x16c: {  	v6 =	vpop (erf);
	(erf) = vpow2.f32 v1;
	v1 =	vadd.f32 $2.101178410e+00, v2;
	v2 =	vmul.f32 $1.442695020e+00, v5  }
0x16d: {  	v0 =	vadd.f32 $2.101178410e+00, v0;
	v3 =	vmul.f32 $1.442695020e+00, v3  }
0x16e: {  	[tilespmem:s18+$0x14000] =	vst v6;
	v1 =	vmul.f32 $1.442695020e+00, v1;
	v5 =	vpop (erf);
	(erf) = vpow2.f32 v4  }
0x16f: {  	v0 =	vmul.f32 $1.442695020e+00, v0;
	[tilespmem:s18+$0x14030] =	vst v5;
	v4 =	vpop (erf);
	(erf) = vpow2.f32 v2  }
0x170: {  	[tilespmem:s18+$0x14040] =	vst v4;
	v2 =	vpop (erf);
	(erf) = vpow2.f32 v3  }
0x171: {  	[tilespmem:s18+$0x14050] =	vst v2;
	v2 =	vpop (erf);
	(erf) = vpow2.f32 v1  }
0x172: {  	[tilespmem:s18+$0x14010] =	vst v2;
	v1 =	vpop (erf);
	(erf) = vpow2.f32 v0  }
0x173: {  	v0 =	vpop (erf);
	[tilespmem:s18+$0x14060] =	vst v1  }
0x174: {  	v1 =	vpop (erf);
	[tilespmem:s18+$0x14020] =	vst v0  }
0x175: {  	v0 =	vpop (erf);
	[tilespmem:s21+$0x14070] =	vst v1  }
0x176: {  	v1 =	vpop (erf);
	[tilespmem:s21+$0x14000] =	vst v0  }
0x177: {  	[tilespmem:s21+$0x14030] =	vst v1;
	v0 =	vpop (erf)  }
0x178: {  	[tilespmem:s21+$0x14040] =	vst v0;
	v0 =	vpop (erf)  }
0x179: {  	[tilespmem:s21+$0x14050] =	vst v0;
	v0 =	vpop (erf)  }
0x17a: {  	[tilespmem:s21+$0x14010] =	vst v0;
	v0 =	vpop (erf)  }
0x17b: {  	[tilespmem:s21+$0x14060] =	vst v0;
	v0 =	vpop (erf)  }
0x17c: {  	s4 =	simm.s32 $0x0;
	s5 =	simm.s32 $0x14000;
	[tilespmem:s21+$0x14020] =	vst v0  }
0x17d: {  	[hbm4b:s14+s4] =	stream.linear.scatter [tilespmem:s5], [sflag:$0xB], $0x2000, $0x38;
	[tilespmem:$0x18080] =	vst v63  }
0x17e: {  	_ =	swait.ge [sflag:s19], $0x2000  }
0x17f: {  	[sflag:s19] =	ssyncset.done $0x0  }
0x180: {  	[sflag:s19] =	ssyncadd.s32 $0xFFFFE000  }
0x181: {  	_ =	swait.ge [sflag:s20], $0x2000  }
0x182: {  	[sflag:s20] =	ssyncset.done $0x0  }
0x183: {  	s18 =	simm.s32 $0x0;
	[sflag:s20] =	ssyncadd.s32 $0xFFFFE000  }
0x184: {  	v0 =	vld [tilespmem:s18+$0x6070]  }
0x185: {  	v2 =	vld [tilespmem:s18+$0x6020]  }
0x186: {  	v3 =	vld [tilespmem:s18+$0x6000]  }
0x187: {  	v4 =	vld [tilespmem:s18+$0xE060]  }
0x188: {  	v5 =	vld [tilespmem:s18+$0x6040]  }
0x189: {  	v6 =	vld [tilespmem:s18+$0x6030];
	v1 =	vmax.f32 v0, $0.0e+00  }
0x18a: {  	v7 =	vld [tilespmem:s18+$0x6060];
	v1 =	vmin.f32 v1, $1.270000000e+02  }
0x18b: {  	v8 =	vld [tilespmem:s18+$0x6010];
	v1 =	vadd.f32 $1.258291200e+07, v1  }
0x18c: {  	v11 =	vld [tilespmem:s18+$0x6050];
	v9 =	vmax.f32 v3, $0.0e+00  }
0x18d: {  	v10 =	vld [tilespmem:s18+$0xE040];
	v9 =	vmin.f32 v9, $1.270000000e+02;
	v1 =	vand.u32 $0x3FFFFF, v1  }
0x18e: {  	v13 =	vld [tilespmem:s18+$0xE070];
	v9 =	vadd.f32 $1.258291200e+07, v9  }
0x18f: {  	v15 =	vld [tilespmem:s18+$0xE010];
	v12 =	vmax.f32 v5, $0.0e+00  }
0x190: {  	v16 =	vld [tilespmem:s18+$0xE020];
	v14 =	vmax.f32 v6, $0.0e+00;
	v12 =	vmin.f32 v12, $1.270000000e+02;
	v9 =	vand.u32 $0x3FFFFF, v9  }
0x191: {  	v18 =	vld [tilespmem:s18+$0xE000];
	v17 =	vmax.f32 v11, $0.0e+00;
	v14 =	vmin.f32 v14, $1.270000000e+02;
	v12 =	vadd.f32 $1.258291200e+07, v12  }
0x192: {  	v17 =	vmin.f32 v17, $1.270000000e+02;
	v14 =	vadd.f32 $1.258291200e+07, v14;
	v1 =	vld.idx.msk [tilespmem:v1+s17+$0x0], $0xffff  }
0x193: {  	s21 =	simm.s32 $0x80;
	v20 =	vld [tilespmem:s18+$0xE050];
	v0 =	vadd.f32 v13, v0;
	v13 =	vadd.f32 $1.258291200e+07, v17;
	v12 =	vand.u32 $0x3FFFFF, v12  }
0x194: {  	v23 =	vld [tilespmem:s21+$0x6070];
	v19 =	vmax.f32 v2, $0.0e+00;
	v14 =	vand.u32 $0x3FFFFF, v14  }
0x195: {  	v21 =	vmax.f32 v8, $0.0e+00;
	v19 =	vmin.f32 v19, $1.270000000e+02;
	v13 =	vand.u32 $0x3FFFFF, v13;
	v9 =	vld.idx.msk [tilespmem:v9+s17+$0x0], $0xffff  }
0x196: {  	v22 =	vmax.f32 v7, $0.0e+00;
	v24 =	vadd.f32 v4, v7;
	v4 =	vld [tilespmem:s21+$0x6000];
	v19 =	vadd.f32 $1.258291200e+07, v19  }
0x197: {  	v3 =	vadd.f32 v18, v3;
	v17 =	vmin.f32 v21, $1.270000000e+02;
	v21 =	vld [tilespmem:s18+$0xE030];
	v0 =	vadd.f32 v1, v0  }
0x198: {  	v5 =	vadd.f32 v10, v5;
	v17 =	vadd.f32 $1.258291200e+07, v17;
	v18 =	vand.u32 $0x3FFFFF, v19;
	v12 =	vld.idx.msk [tilespmem:v12+s17+$0x0], $0xffff  }
0x199: {  	v11 =	vadd.f32 v20, v11;
	v19 =	vmin.f32 v22, $1.270000000e+02;
	v14 =	vld.idx.msk [tilespmem:v14+s17+$0x0], $0xffff;
	v22 =	vmul.f32 $5.776226520e-02, v0  }
0x19a: {  	v16 =	vadd.f32 v16, v2;
	v13 =	vld.idx.msk [tilespmem:v13+s17+$0x0], $0xffff;
	v3 =	vadd.f32 v9, v3;
	v9 =	vand.u32 $0x3FFFFF, v17  }
0x19b: {  	v19 =	vadd.f32 $1.258291200e+07, v19;
	v1 =	vld [tilespmem:s21+$0x6030];
	v10 =	vadd.f32 $2.101178410e+00, v22  }
0x19c: {  	v8 =	vadd.f32 v15, v8;
	v6 =	vadd.f32 v21, v6;
	v0 =	vld [tilespmem:s21+$0x6020];
	v3 =	vmul.f32 $5.776226520e-02, v3  }
0x19d: {  	v17 =	vand.u32 $0x3FFFFF, v19;
	v5 =	vadd.f32 v12, v5;
	v7 =	vmul.f32 $1.442695020e+00, v10;
	v10 =	vld.idx.msk [tilespmem:v18+s17+$0x0], $0xffff  }
0x19e: {  	v19 =	vmax.f32 v23, $0.0e+00;
	v6 =	vadd.f32 v14, v6;
	v18 =	vadd.f32 $2.101178410e+00, v3;
	v3 =	vld [tilespmem:s21+$0x6010]  }
0x19f: {  	v21 =	vadd.f32 v13, v11;
	v11 =	vmax.f32 v4, $0.0e+00;
	v2 =	vmin.f32 v19, $1.270000000e+02;
	v9 =	vld.idx.msk [tilespmem:v9+s17+$0x0], $0xffff  }
0x1a0: {  	v25 =	vmul.f32 $5.776226520e-02, v5;
	v14 =	vadd.f32 $1.258291200e+07, v2;
	(erf) = vpow2.f32 v7;
	v7 =	vld [tilespmem:s21+$0x6040]  }
0x1a1: {  	v2 =	vld [tilespmem:s21+$0xE060];
	v15 =	vmul.f32 $5.776226520e-02, v6;
	v6 =	vmin.f32 v11, $1.270000000e+02;
	v11 =	vmax.f32 v0, $0.0e+00  }
0x1a2: {  	v5 =	vld [tilespmem:s21+$0x6060];
	v14 =	vand.u32 $0x3FFFFF, v14;
	v18 =	vmul.f32 $1.442695020e+00, v18;
	v11 =	vmin.f32 v11, $1.270000000e+02  }
0x1a3: {  	v26 =	vld.idx.msk [tilespmem:v17+s17+$0x0], $0xffff;
	v13 =	vadd.f32 v10, v16;
	v10 =	vadd.f32 $1.258291200e+07, v6;
	v6 =	vmax.f32 v3, $0.0e+00  }
0x1a4: {  	v27 =	vadd.f32 $2.101178410e+00, v15;
	v15 =	vadd.f32 $1.258291200e+07, v11;
	v19 =	vmin.f32 v6, $1.270000000e+02;
	v6 =	vld [tilespmem:s21+$0x6050]  }
0x1a5: {  	v11 =	vld [tilespmem:s21+$0xE020];
	v20 =	vadd.f32 v9, v8;
	(erf) = vpow2.f32 v18;
	v8 =	vmax.f32 v7, $0.0e+00  }
0x1a6: {  	v12 =	vmax.f32 v1, $0.0e+00;
	v16 =	vld [tilespmem:s21+$0xE070];
	v17 =	vadd.f32 $1.258291200e+07, v19;
	v18 =	vmin.f32 v8, $1.270000000e+02  }
0x1a7: {  	v12 =	vmin.f32 v12, $1.270000000e+02;
	v9 =	vld [tilespmem:s21+$0xE040];
	v19 =	vand.u32 $0x3FFFFF, v10;
	v10 =	vadd.f32 $1.258291200e+07, v18  }
0x1a8: {  	v12 =	vadd.f32 $1.258291200e+07, v12;
	v28 =	vmax.f32 v5, $0.0e+00;
	v8 =	vld [tilespmem:s21+$0xE010];
	v29 =	vand.u32 $0x3FFFFF, v17  }
0x1a9: {  	v18 =	vmul.f32 $5.776226520e-02, v20;
	v20 =	vld.idx.msk [tilespmem:v14+s17+$0x0], $0xffff;
	v17 =	vand.u32 $0x3FFFFF, v10;
	v10 =	vmax.f32 v6, $0.0e+00  }
0x1aa: {  	v32 =	vmin.f32 v28, $1.270000000e+02;
	v28 =	vmul.f32 $1.442695020e+00, v27;
	v14 =	vand.u32 $0x3FFFFF, v15;
	v15 =	vld [tilespmem:s21+$0xE030]  }
0x1ab: {  	s4 =	simm.s32 $0x6080;
	v31 =	vadd.f32 v26, v24;
	v22 =	vadd.f32 v16, v23;
	v16 =	vand.u32 $0x3FFFFF, v12;
	v12 =	vld [tilespmem:s21+$0xE050]  }
0x1ac: {  	s5 =	simm.s32 $0x400;
	v27 =	vadd.f32 $1.258291200e+07, v32;
	v23 =	vmul.f32 $5.776226520e-02, v21;
	v21 =	vld [tilespmem:s21+$0xE000];
	v30 =	vmin.f32 v10, $1.270000000e+02;
	v10 =	vpop (erf)  }
0x1ad: {  	v24 =	vadd.f32 $2.101178410e+00, v25;
	v25 =	vmul.f32 $5.776226520e-02, v31;
	v26 =	vadd.f32 $1.258291200e+07, v30;
	[tilespmem:s18+$0x16070] =	vst v10;
	v10 =	vld.idx.msk [tilespmem:v29+s17+$0x0], $0xffff  }
.LBB2_8:
0x1ae: {  	s6 =	sshra.s32 s5, $0x2;
	s4 =	sadd.s32 $0x80, s4;
	v19 =	vld.idx.msk [tilespmem:v19+s17+$0x0], $0xffff;
	v20 =	vadd.f32 v20, v22;
	v13 =	vmul.f32 $5.776226520e-02, v13;
	v22 =	vpop (erf);
	(erf) = vpow2.f32 v28  }
0x1af: {  	v18 =	vadd.f32 $2.101178410e+00, v18;
	v24 =	vmul.f32 $1.442695020e+00, v24;
	v23 =	vadd.f32 $2.101178410e+00, v23;
	v28 =	vld [tilespmem:s6+$0x6020]  }
0x1b0: {  	v26 =	vand.u32 $0x3FFFFF, v26;
	v27 =	vand.u32 $0x3FFFFF, v27;
	v25 =	vadd.f32 $2.101178410e+00, v25;
	v29 =	vld [tilespmem:s6+$0xE060]  }
0x1b1: {  	v20 =	vmul.f32 $5.776226520e-02, v20;
	v13 =	vadd.f32 $2.101178410e+00, v13;
	v23 =	vmul.f32 $1.442695020e+00, v23;
	v17 =	vld.idx.msk [tilespmem:v17+s17+$0x0], $0xffff  }
0x1b2: {  	p0 =	slt.u32 s4, $0x7F80;
	v18 =	vmul.f32 $1.442695020e+00, v18;
	v4 =	vadd.f32 v21, v4;
	v30 =	vld [tilespmem:s6+$0x6030];
	(erf) = vpow2.f32 v24  }
0x1b3: {  	v7 =	vadd.f32 v9, v7;
	v9 =	vmul.f32 $1.442695020e+00, v13;
	v13 =	vmul.f32 $1.442695020e+00, v25;
	v16 =	vld.idx.msk [tilespmem:v16+s17+$0x0], $0xffff  }
0x1b4: {  	v20 =	vadd.f32 $2.101178410e+00, v20;
	v19 =	vadd.f32 v19, v4;
	v21 =	vld [tilespmem:s6+$0x6070];
	(erf) = vpow2.f32 v23  }
0x1b5: {  	v24 =	vadd.f32 v2, v5;
	v23 =	vld.idx.msk [tilespmem:v26+s17+$0x0], $0xffff;
	(erf) = vpow2.f32 v18;
	v2 =	vmov v29  }
0x1b6: {  	v15 =	vadd.f32 v15, v1;
	v18 =	vmul.f32 $5.776226520e-02, v19;
	v4 =	vld [tilespmem:s6+$0x6000];
	(erf) = vpow2.f32 v13  }
0x1b7: {  	v7 =	vadd.f32 v17, v7;
	v13 =	vld.idx.msk [tilespmem:v14+s17+$0x0], $0xffff;
	v14 =	vmul.f32 $1.442695020e+00, v20;
	(erf) = vpow2.f32 v9;
	v9 =	vpop (erf)  }
0x1b8: {  	v17 =	vmax.f32 v30, $0.0e+00;
	v18 =	vadd.f32 $2.101178410e+00, v18;
	v20 =	vadd.f32 v12, v6;
	v1 =	vmovc v30;
	v5 =	vld [tilespmem:s6+$0x6060];
	[tilespmem:s18+$0x16000] =	vst v22  }
0x1b9: {  	v11 =	vadd.f32 v11, v0;
	v0 =	vmovc v28;
	v15 =	vadd.f32 v16, v15;
	v12 =	vld [tilespmem:s6+$0x6010];
	v19 =	vmax.f32 v21, $0.0e+00;
	[tilespmem:s18+$0x16030] =	vst v9  }
0x1ba: {  	v25 =	vmul.f32 $5.776226520e-02, v7;
	v9 =	vld [tilespmem:s6+$0xE040];
	v16 =	vmin.f32 v19, $1.270000000e+02;
	(erf) = vpow2.f32 v14  }
0x1bb: {  	v23 =	vadd.f32 v23, v20;
	v7 =	vld [tilespmem:s6+$0x6040];
	v14 =	vadd.f32 $1.258291200e+07, v16;
	v16 =	vmul.f32 $1.442695020e+00, v18;
	v6 =	vpop (erf)  }
0x1bc: {  	v20 =	vadd.f32 v8, v3;
	v8 =	vmul.f32 $5.776226520e-02, v15;
	v18 =	vmax.f32 v4, $0.0e+00;
	[tilespmem:s18+$0x16040] =	vst v6  }
0x1bd: {  	v15 =	vmax.f32 v0, $0.0e+00;
	v6 =	vmin.f32 v18, $1.270000000e+02;
	v13 =	vadd.f32 v13, v11;
	v11 =	vpop (erf)  }
0x1be: {  	v18 =	vadd.f32 $1.258291200e+07, v6;
	v14 =	vand.u32 $0x3FFFFF, v14;
	v6 =	vmax.f32 v12, $0.0e+00;
	v22 =	vld [tilespmem:s6+$0xE070];
	[tilespmem:s18+$0x16050] =	vst v11;
	v11 =	vpop (erf)  }
0x1bf: {  	v17 =	vmin.f32 v17, $1.270000000e+02;
	v10 =	vadd.f32 v10, v20;
	v19 =	vmin.f32 v6, $1.270000000e+02;
	v6 =	vld [tilespmem:s6+$0x6050];
	[tilespmem:s18+$0x16010] =	vst v11;
	v3 =	vpop (erf)  }
0x1c0: {  	v11 =	vmin.f32 v15, $1.270000000e+02;
	v15 =	vmax.f32 v7, $0.0e+00;
	v26 =	vld.idx.msk [tilespmem:v27+s17+$0x0], $0xffff;
	(erf) = vpow2.f32 v16;
	[tilespmem:s18+$0x16060] =	vst v3;
	v3 =	vpop (erf)  }
0x1c1: {  	v16 =	vadd.f32 $1.258291200e+07, v19;
	v27 =	vadd.f32 $2.101178410e+00, v8;
	v15 =	vmin.f32 v15, $1.270000000e+02;
	[tilespmem:s18+$0x16020] =	vst v3;
	v3 =	vmovc v12;
	s18 =	smov.u32 s21;
	s21 =	smov.u32 s6  }
0x1c2: {  	v19 =	vand.u32 $0x3FFFFF, v18;
	v18 =	vmul.f32 $5.776226520e-02, v10;
	v8 =	vld [tilespmem:s21+$0xE010];
	v12 =	vadd.f32 $1.258291200e+07, v15  }
0x1c3: {  	v10 =	vand.u32 $0x3FFFFF, v16;
	v15 =	vadd.f32 $1.258291200e+07, v11;
	v16 =	vadd.f32 $1.258291200e+07, v17;
	v20 =	vld.idx.msk [tilespmem:v14+s17+$0x0], $0xffff;
	v14 =	vpop (erf)  }
.Ltmp3:
0x1c4: {  	v22 =	vadd.f32 v22, v21;
	v11 =	vld [tilespmem:s21+$0xE020];
	v17 =	vand.u32 $0x3FFFFF, v12;
	v28 =	vmax.f32 v6, $0.0e+00;
	[tilespmem:s18+$0x16070] =	vst v14;
	(pc) =	sbr.rel @p0 .LBB2_8-.Ltmp3, $4  }
0x1c5: {  	v29 =	vmax.f32 v5, $0.0e+00;
	v14 =	vand.u32 $0x3FFFFF, v15;
	v16 =	vand.u32 $0x3FFFFF, v16;
	v12 =	vld [tilespmem:s21+$0xE050]  }
0x1c6: {  	v23 =	vmul.f32 $5.776226520e-02, v23;
	v30 =	vmin.f32 v28, $1.270000000e+02;
	v31 =	vadd.f32 v26, v24;
	v15 =	vld [tilespmem:s21+$0xE030]  }
0x1c7: {  	v29 =	vmin.f32 v29, $1.270000000e+02;
	v28 =	vmul.f32 $1.442695020e+00, v27;
	v24 =	vadd.f32 $2.101178410e+00, v25;
	v21 =	vld [tilespmem:s21+$0xE000]  }
0x1c8: {  	s5 =	sadd.s32 $0x200, s5;
	v27 =	vadd.f32 $1.258291200e+07, v29;
	v26 =	vadd.f32 $1.258291200e+07, v30;
	v25 =	vmul.f32 $5.776226520e-02, v31;
	v10 =	vld.idx.msk [tilespmem:v10+s17+$0x0], $0xffff  }
0x1c9: {  	_ = 	snop  }
0x1ca: {  	v20 =	vadd.f32 v20, v22;
	v13 =	vmul.f32 $5.776226520e-02, v13  }
0x1cb: {  	(erf) = vpow2.f32 v28;
	v18 =	vadd.f32 $2.101178410e+00, v18;
	v23 =	vadd.f32 $2.101178410e+00, v23  }
0x1cc: {  	v7 =	vadd.f32 v9, v7;
	v2 =	vadd.f32 v2, v5;
	v36 =	vand.u32 $0x3FFFFF, v26  }
0x1cd: {  	v19 =	vld.idx.msk [tilespmem:v19+s17+$0x0], $0xffff;
	v35 =	vmul.f32 $1.442695020e+00, v24;
	v0 =	vadd.f32 v11, v0;
	v3 =	vadd.f32 v8, v3  }
0x1ce: {  	v17 =	vld.idx.msk [tilespmem:v17+s17+$0x0], $0xffff;
	v37 =	vand.u32 $0x3FFFFF, v27;
	v38 =	vadd.f32 $2.101178410e+00, v25;
	v6 =	vadd.f32 v12, v6  }
0x1cf: {  	v16 =	vld.idx.msk [tilespmem:v16+s17+$0x0], $0xffff;
	v20 =	vmul.f32 $5.776226520e-02, v20;
	v13 =	vadd.f32 $2.101178410e+00, v13;
	v23 =	vmul.f32 $1.442695020e+00, v23  }
0x1d0: {  	v42 =	vld.idx.msk [tilespmem:v14+s17+$0x0], $0xffff;
	v18 =	vmul.f32 $1.442695020e+00, v18;
	(erf) = vpow2.f32 v35;
	v1 =	vadd.f32 v15, v1  }
0x1d1: {  	v4 =	vadd.f32 v21, v4;
	v39 =	vmul.f32 $1.442695020e+00, v38;
	v13 =	vmul.f32 $1.442695020e+00, v13;
	v41 =	vld.idx.msk [tilespmem:v36+s17+$0x0], $0xffff  }
0x1d2: {  	(erf) = vpow2.f32 v23;
	v40 =	vadd.f32 $2.101178410e+00, v20;
	v3 =	vadd.f32 v10, v3  }
0x1d3: {  	v4 =	vadd.f32 v19, v4;
	(erf) = vpow2.f32 v18;
	v7 =	vadd.f32 v17, v7;
	v44 =	vld.idx.msk [tilespmem:v37+s17+$0x0], $0xffff  }
0x1d4: {  	v1 =	vadd.f32 v16, v1;
	(erf) = vpow2.f32 v39;
	v43 =	vmul.f32 $1.442695020e+00, v40  }
0x1d5: {  	v0 =	vadd.f32 v42, v0;
	v3 =	vmul.f32 $5.776226520e-02, v3;
	v4 =	vmul.f32 $5.776226520e-02, v4  }
0x1d6: {  	(erf) = vpow2.f32 v13;
	v1 =	vmul.f32 $5.776226520e-02, v1;
	v6 =	vadd.f32 v41, v6  }
0x1d7: {  	v7 =	vmul.f32 $5.776226520e-02, v7;
	v0 =	vmul.f32 $5.776226520e-02, v0;
	v4 =	vadd.f32 $2.101178410e+00, v4  }
0x1d8: {  	v1 =	vadd.f32 $2.101178410e+00, v1;
	v2 =	vadd.f32 v44, v2;
	v45 =	vmul.f32 $5.776226520e-02, v6  }
0x1d9: {  	(erf) = vpow2.f32 v43;
	v46 =	vadd.f32 $2.101178410e+00, v7;
	v4 =	vmul.f32 $1.442695020e+00, v4  }
0x1da: {  	v1 =	vmul.f32 $1.442695020e+00, v1;
	v2 =	vmul.f32 $5.776226520e-02, v2;
	v5 =	vadd.f32 $2.101178410e+00, v45  }
0x1db: {  	v3 =	vadd.f32 $2.101178410e+00, v3;
	(erf) = vpow2.f32 v4;
	v4 =	vmul.f32 $1.442695020e+00, v46  }
0x1dc: {  	v47 =	vpop (erf);
	(erf) = vpow2.f32 v1;
	v48 =	vadd.f32 $2.101178410e+00, v2;
	v49 =	vmul.f32 $1.442695020e+00, v5  }
0x1dd: {  	[tilespmem:s18+$0x16000] =	vst v47;
	v50 =	vpop (erf);
	v0 =	vadd.f32 $2.101178410e+00, v0;
	v3 =	vmul.f32 $1.442695020e+00, v3;
	(erf) = vpow2.f32 v4  }
0x1de: {  	[tilespmem:s18+$0x16030] =	vst v50;
	v51 =	vpop (erf);
	v1 =	vmul.f32 $1.442695020e+00, v48;
	(erf) = vpow2.f32 v49  }
0x1df: {  	v0 =	vmul.f32 $1.442695020e+00, v0;
	[tilespmem:s18+$0x16040] =	vst v51;
	v52 =	vpop (erf);
	(erf) = vpow2.f32 v3  }
0x1e0: {  	[tilespmem:s18+$0x16050] =	vst v52;
	v53 =	vpop (erf);
	(erf) = vpow2.f32 v1  }
0x1e1: {  	[tilespmem:s18+$0x16010] =	vst v53;
	v54 =	vpop (erf);
	(erf) = vpow2.f32 v0  }
0x1e2: {  	v55 =	vpop (erf);
	[tilespmem:s18+$0x16060] =	vst v54  }
0x1e3: {  	v56 =	vpop (erf);
	[tilespmem:s18+$0x16020] =	vst v55  }
0x1e4: {  	[tilespmem:s21+$0x16070] =	vst v56;
	v57 =	vpop (erf)  }
0x1e5: {  	v58 =	vpop (erf);
	[tilespmem:s21+$0x16000] =	vst v57  }
0x1e6: {  	[tilespmem:s21+$0x16030] =	vst v58;
	v59 =	vpop (erf)  }
0x1e7: {  	[tilespmem:s21+$0x16040] =	vst v59;
	v60 =	vpop (erf)  }
0x1e8: {  	[tilespmem:s21+$0x16050] =	vst v60;
	v61 =	vpop (erf)  }
0x1e9: {  	[tilespmem:s21+$0x16010] =	vst v61;
	v62 =	vpop (erf)  }
0x1ea: {  	[tilespmem:s21+$0x16060] =	vst v62;
	v63 =	vpop (erf)  }
0x1eb: {  	s4 =	simm.s32 $0x16000;
	[tilespmem:s21+$0x16020] =	vst v63  }
0x1ec: {  	[hbm4b:s15+s3] =	stream.linear.scatter [tilespmem:s4], [sflag:$0xC], $0x2000, $0x38;
	[tilespmem:$0x18080] =	vst v63  }
0x1ed: {  	_ =	swait.ge [sflag:s22], $0x2000  }
0x1ee: {  	[sflag:s22] =	ssyncset.done $0x0  }
0x1ef: {  	[sflag:s22] =	ssyncadd.s32 $0xFFFFE000  }
0x1f0: {  	_ =	swait.ge [sflag:s23], $0x2000  }
0x1f1: {  	[sflag:s23] =	ssyncset.done $0x0  }
0x1f2: {  	s0 =	sadd.s32 $0x1, s0;
	[sflag:s23] =	ssyncadd.s32 $0xFFFFE000  }
0x1f3: {  	p0 =	sne.s32 s0, s16;
	_ =	swait.ge [sflag:s24], $0x2000  }
.Ltmp4:
0x1f4: {  	[sflag:s24] =	ssyncset.done $0x0;
	(pc) =	sbr.rel @p0 .LBB2_1-.Ltmp4, $4  }
0x1f5: {  	[sflag:s24] =	ssyncadd.s32 $0xFFFFE000  }
0x1f6: {  	_ =	swait.ge [sflag:s29], $0x2000  }
0x1f7: {  	[sflag:s29] =	ssyncset.done $0x0  }
0x1f8: {  	[sflag:s29] =	ssyncadd.s32 $0xFFFFE000  }
0x1f9: {  	_ =	sfence.sel $0x180000  }
0x1fa: {  	[bflag:$0x0] =	sbarrier.arrive $0xFFFF  }
0x1fb: {  	_ =	strace $0x90000047  }
0x1fc: {  	s0 =	stileid.u32;
	[bflag:$0x2] =	sbarrier.arrive $0xFFFF  }
0x1fd: {  	p0 =	sne.s32 s0, $0x0;
	s0 =	rddreg [dreg:$0x4]  }
0x1fe: {  	s0 =	sadd.s32 @!p0 $0x100000, s0  }
0x1ff: {  	[sflag:s0] =	ssyncadd.tile.s32 @!p0 $0x1;
	_ =	shalt  }
.Lfunc_end2:
_tile_overlayer_lowered:
.L_overlay_start_2:
0x200: {  	(tag) =	ssettag $0x2  }
0x201: {  	s0 =	rddreg [dreg:$0x0];
	s2 =	stileid.u32  }
0x202: {  	s1 =	rddreg [dreg:$0x1];
	p0 =	sne.s32 s2, $0x0  }
0x203: {  	s3 =	rddreg [dreg:$0x2];
	[bflag:$0x3] =	sbarrier.arrive $0xFFFF;
	s2 =	simm.s32 @!p0 $0x1C0E  }
0x204: {  	[timem:s3], [sflag:s2] =	dma.local @!p0 [hbm:s0], s1  }
0x205: {  	s0 =	simm.s32 @!p0 $0xE  }
0x206: {  	_ =	swait.ge @!p0 [sflag:s0], s1  }
0x207: {  	s1 =	ssub.s32 @!p0 $0x0, s1;
	[sflag:s0] =	ssyncset.done @!p0 $0x0  }
0x208: {  	[sflag:s0] =	ssyncadd.s32 @!p0 s1  }
0x209: {  	[bflag:$0x3] =	sbarrier.arrive $0xFFFF  }
0x20a: {  	_ =	shalt  }

</sc_bundles>
